<compile_context>
chip_gen: v7x
topology: tpu7x:2x2x1
jax: 0.10.2.dev20260603
libtpu: 0.0.44.dev20260713+nightly
codegen_flags: <defaults>
</compile_context>

<pallas_src>
import functools

import numpy as np
import jax
import jax.numpy as jnp
from jax import lax
from jax.experimental import pallas as pl
from jax.experimental.pallas import tpu as pltpu
from jax.experimental.pallas import tpu_sc as plsc

_NUM_CLASSES = 80
_K = 10
_EPSILON = 1e-09


def _atan_pos(x):
    t38 = 2.414213562373095
    t8 = 0.4142135623730950
    use_big = x > t38
    use_mid = (x > t8) & (~use_big)
    arg = jnp.where(use_big, -1.0 / x, jnp.where(use_mid, (x - 1.0) / (x + 1.0), x))
    base = jnp.where(use_big, jnp.float32(np.pi / 2),
                     jnp.where(use_mid, jnp.float32(np.pi / 4), jnp.float32(0.0)))
    z = arg * arg
    poly = (((8.05374449538e-2 * z - 1.38776856032e-1) * z
             + 1.99777106478e-1) * z - 3.33329491539e-1) * z * arg + arg
    return base + poly


def _dense_kernel(scores_t_ref, decode_t_ref, anchors_t_ref, gt_labels_ref,
                  gt_bboxes_ref, gt_mask_ref, align_ref, ciou_ref):
    f32 = jnp.float32
    C, A = scores_t_ref.shape[1], scores_t_ref.shape[2]
    G = gt_bboxes_ref.shape[1]

    scores_t = scores_t_ref[0]
    dec = decode_t_ref[0]
    anc = anchors_t_ref[...]
    gtb = gt_bboxes_ref[0]
    labels = gt_labels_ref[0]
    gmask = gt_mask_ref[0]

    d_x1 = dec[0:1, :]
    d_y1 = dec[1:2, :]
    d_x2 = dec[2:3, :]
    d_y2 = dec[3:4, :]
    a_x = anc[0:1, :]
    a_y = anc[1:2, :]
    g_x1 = gtb[:, 0:1]
    g_y1 = gtb[:, 1:2]
    g_x2 = gtb[:, 2:3]
    g_y2 = gtb[:, 3:4]

    cls = jnp.maximum(labels, 0)
    onehot_cls = jnp.where(
        gmask > 0.0,
        (lax.broadcasted_iota(jnp.int32, (G, C), 1) == cls).astype(f32),
        0.0)
    bbox_scores = lax.dot_general(
        onehot_cls, scores_t, (((1,), (0,)), ((), ())),
        preferred_element_type=f32, precision=lax.Precision.HIGHEST)

    eps = 1e-9
    x1 = jnp.maximum(g_x1, d_x1)
    y1 = jnp.maximum(g_y1, d_y1)
    x2 = jnp.minimum(g_x2, d_x2)
    y2 = jnp.minimum(g_y2, d_y2)
    inter = jnp.maximum(x2 - x1, 0.0) * jnp.maximum(y2 - y1, 0.0)
    w1 = g_x2 - g_x1
    h1 = g_y2 - g_y1
    w2 = d_x2 - d_x1
    h2 = d_y2 - d_y1
    union = w1 * h1 + w2 * h2 - inter
    iou = inter / (union + eps)
    cw = jnp.maximum(g_x2, d_x2) - jnp.minimum(g_x1, d_x1)
    ch = jnp.maximum(g_y2, d_y2) - jnp.minimum(g_y1, d_y1)
    c2 = cw * cw + ch * ch + eps
    dx = d_x1 + d_x2 - g_x1 - g_x2
    dy = d_y1 + d_y2 - g_y1 - g_y2
    rho2 = (dx * dx + dy * dy) * 0.25
    atan_g = _atan_pos(w1 / (h1 + eps))
    atan_d = _atan_pos(w2 / (h2 + eps))
    dv = atan_d - atan_g
    v = (4.0 / (np.pi ** 2)) * (dv * dv)
    alpha_t = v / (v - iou + 1.0 + eps)
    ciou = iou - (rho2 / c2 + v * alpha_t)

    o2 = ciou * ciou
    o6 = o2 * o2 * o2
    inbox = (g_x1 < a_x) & (g_y1 < a_y) & (g_x2 > a_x) & (g_y2 > a_y)
    align = jnp.where(inbox, jnp.sqrt(bbox_scores) * o6, 0.0)

    align_ref[0] = align
    ciou_ref[0] = ciou



_SC_ROWS_PER_WORKER = 32
_SC_GROUP_W = 80


def _sc_cand_body(align_hbm, out_hbm, row_v, out_v):
    f32 = jnp.float32
    nchunks = align_hbm.shape[1] // 16
    rows_per_worker = align_hbm.shape[0] // 32
    wid = lax.axis_index("c") * 16 + lax.axis_index("s")

    unroll = 5

    def insert_one(c, t):
        v = row_v[pl.ds(c * 16, 16)]
        t = list(t)
        cur = v
        for i in range(_K):
            hi = jnp.maximum(t[i], cur)
            cur = jnp.minimum(t[i], cur)
            t[i] = hi
        return tuple(t)

    def chunk_body(c, t):
        for u in range(unroll):
            t = insert_one(c * unroll + u, t)
        return t

    def row_body(j, carry):
        row = wid * rows_per_worker + j
        pltpu.sync_copy(align_hbm.at[row], row_v)
        t0 = tuple(jnp.full((16,), -1.0, f32) for _ in range(_K))
        tfin = lax.fori_loop(0, nchunks // unroll, chunk_body, t0)
        for i in range(_K):
            out_v[pl.ds(j * (16 * _K) + i * 16, 16)] = tfin[i]
        return carry

    lax.fori_loop(0, rows_per_worker, row_body, jnp.int32(0))
    pltpu.sync_copy(out_v, out_hbm.at[wid])


def _finish_kernel(align_ref, ciou_ref, cand_ref, gt_labels_ref,
                   gt_bboxes_ref, gt_dist_ref,
                   bbox_out_ref, cls_out_ref, dist_out_ref, fg_out_ref):
    f32 = jnp.float32
    G, A = align_ref.shape[1], align_ref.shape[2]
    C = cls_out_ref.shape[1]

    align = align_ref[0]
    ciou = ciou_ref[0]
    cand = cand_ref[0]
    gtb = gt_bboxes_ref[0]
    labels = gt_labels_ref[0]
    gdist = gt_dist_ref[0]

    work = cand
    thresh = jnp.full((G, 1), -1.0, f32)
    for _ in range(_K):
        thresh = jnp.max(work, axis=1, keepdims=True)
        work = jnp.where(work == thresh, -1.0, work)

    keep10 = (align >= thresh) & (align > 0.0)
    ov_m = jnp.where(keep10, ciou, 0.0)
    al_m = jnp.where(keep10, align, 0.0)

    best_ov = jnp.max(ov_m, axis=0, keepdims=True)
    iota_g = lax.broadcasted_iota(jnp.int32, (G, A), 0)
    best_g = jnp.min(jnp.where(ov_m == best_ov, iota_g, G), axis=0, keepdims=True)
    matched = best_ov > 0.0
    onehot_a = (iota_g == best_g).astype(f32)

    gvals = jnp.concatenate(
        [gtb, gdist, jnp.zeros((G, 3), f32)], axis=1)
    gathered = lax.dot_general(
        gvals, onehot_a, (((0,), (0,)), ((), ())),
        preferred_element_type=f32, precision=lax.Precision.HIGHEST)

    max_al = jnp.max(al_m, axis=1, keepdims=True)
    max_ov = jnp.max(ov_m, axis=1, keepdims=True)
    ratio = max_ov / (max_al + _EPSILON)
    norm = jnp.max(al_m * ratio, axis=0, keepdims=True)

    neg1 = jnp.float32(-1.0)
    bbox_out_ref[0] = jnp.where(matched, gathered[0:4, :], neg1)

    cls = jnp.maximum(labels, 0)
    onehot_cls = (lax.broadcasted_iota(jnp.int32, (G, C), 1) == cls).astype(f32)
    sel_scaled = onehot_a * jnp.where(matched, norm, 0.0)
    cls_out_ref[0] = lax.dot_general(
        onehot_cls, sel_scaled, (((0,), (0,)), ((), ())),
        preferred_element_type=f32, precision=lax.Precision.HIGHEST)

    dist_out_ref[0] = jnp.where(matched, gathered[4:5, :], neg1) * norm
    fg_out_ref[0] = jnp.ones((1, A), f32)


def kernel(scores, decode_bboxes, distances, anchors, gt_labels, gt_bboxes,
           gt_distances, gt_mask):
    del distances
    B, A, C = scores.shape
    G = gt_labels.shape[1]

    scores_t = jnp.transpose(scores, (0, 2, 1))
    decode_t = jnp.transpose(decode_bboxes, (0, 2, 1))
    anchors_t = jnp.transpose(anchors, (1, 0))
    labels3 = gt_labels.reshape(B, G, 1)
    gdist3 = gt_distances.reshape(B, G, 1)
    gmask3 = gt_mask.astype(jnp.float32)

    def row_spec(shape):
        return pl.BlockSpec((1,) + shape, lambda b: (b, 0, 0))

    def sub_pipeline(scores_t, decode_t, labels3, gtb, gmask3, gdist3):
        nb = scores_t.shape[0]

        align, ciou = pl.pallas_call(
            _dense_kernel,
            grid=(nb,),
            in_specs=[
                row_spec((C, A)),
                row_spec((4, A)),
                pl.BlockSpec((2, A), lambda b: (0, 0)),
                row_spec((G, 1)),
                row_spec((G, 4)),
                row_spec((G, 1)),
            ],
            out_specs=(row_spec((G, A)), row_spec((G, A))),
            out_shape=(
                jax.ShapeDtypeStruct((nb, G, A), jnp.float32),
                jax.ShapeDtypeStruct((nb, G, A), jnp.float32),
            ),
        )(scores_t, decode_t, anchors_t, labels3, gtb, gmask3)

        rpw = nb * G // 32
        mesh = plsc.VectorSubcoreMesh(core_axis_name="c",
                                      subcore_axis_name="s")
        sc_call = functools.partial(
            pl.kernel, mesh=mesh,
            out_type=jax.ShapeDtypeStruct((32, rpw * 16 * _K), jnp.float32),
            scratch_types=[
                pltpu.VMEM((A,), jnp.float32),
                pltpu.VMEM((rpw * 16 * _K,), jnp.float32),
            ],
        )(_sc_cand_body)
        cand = sc_call(align.reshape(nb * G, A))
        cand3 = cand.reshape(nb, G, 16 * _K)

        out_shapes = (
            jax.ShapeDtypeStruct((nb, 4, A), jnp.float32),
            jax.ShapeDtypeStruct((nb, C, A), jnp.float32),
            jax.ShapeDtypeStruct((nb, 1, A), jnp.float32),
            jax.ShapeDtypeStruct((nb, 1, A), jnp.float32),
        )
        return pl.pallas_call(
            _finish_kernel,
            grid=(nb,),
            in_specs=[
                row_spec((G, A)),
                row_spec((G, A)),
                row_spec((G, 16 * _K)),
                row_spec((G, 1)),
                row_spec((G, 4)),
                row_spec((G, 1)),
            ],
            out_specs=(row_spec((4, A)), row_spec((C, A)),
                       row_spec((1, A)), row_spec((1, A))),
            out_shape=out_shapes,
        )(align, ciou, cand3, labels3, gtb, gdist3)

    nh = 2 if (B % 2 == 0 and (B // 2) * G % 32 == 0) else 1
    h = B // nh
    parts = [
        sub_pipeline(scores_t[i * h:(i + 1) * h], decode_t[i * h:(i + 1) * h],
                     labels3[i * h:(i + 1) * h], gt_bboxes[i * h:(i + 1) * h],
                     gmask3[i * h:(i + 1) * h], gdist3[i * h:(i + 1) * h])
        for i in range(nh)
    ]
    bbox_l, cls_oh, dist_l, fg = (
        parts[0] if nh == 1 else
        tuple(jnp.concatenate(x, axis=0) for x in zip(*parts)))

    bbox_labels = jnp.transpose(bbox_l, (0, 2, 1))
    class_labels_oh = jnp.transpose(cls_oh, (0, 2, 1))
    dist_labels = dist_l.reshape(B, A)
    fg_mask = fg.reshape(B, A)
    return bbox_labels, class_labels_oh, dist_labels, fg_mask

# --- scband reference (transcript-rebuilt; emitter-appended) ---
"""Pipeline reference for scband-label-encoder-17205638987990 (READ-ONLY COPY).

The authoritative reference and input builder live on the scoring server;
editing this copy changes nothing except your own understanding.
"""

import jax, jax.numpy as jnp
import numpy as np

NUM_CLASSES = 80
MAX_ANCHOR_MATCHES = 10
ALPHA = 0.5
BETA = 6.0
EPSILON = 1e-09


def compute_ciou(boxes1, boxes2):
    eps = 1e-9
    x1 = jnp.maximum(boxes1[..., 0], boxes2[..., 0])
    y1 = jnp.maximum(boxes1[..., 1], boxes2[..., 1])
    x2 = jnp.minimum(boxes1[..., 2], boxes2[..., 2])
    y2 = jnp.minimum(boxes1[..., 3], boxes2[..., 3])
    inter = jnp.clip(x2 - x1, 0.0, None) * jnp.clip(y2 - y1, 0.0, None)
    w1 = boxes1[..., 2] - boxes1[..., 0]
    h1 = boxes1[..., 3] - boxes1[..., 1]
    w2 = boxes2[..., 2] - boxes2[..., 0]
    h2 = boxes2[..., 3] - boxes2[..., 1]
    union = w1 * h1 + w2 * h2 - inter
    iou = inter / (union + eps)
    cw = jnp.maximum(boxes1[..., 2], boxes2[..., 2]) - jnp.minimum(boxes1[..., 0], boxes2[..., 0])
    ch = jnp.maximum(boxes1[..., 3], boxes2[..., 3]) - jnp.minimum(boxes1[..., 1], boxes2[..., 1])
    c2 = cw * cw + ch * ch + eps
    rho2 = ((boxes2[..., 0] + boxes2[..., 2] - boxes1[..., 0] - boxes1[..., 2]) ** 2 + (boxes2[..., 1] + boxes2[..., 3] - boxes1[..., 1] - boxes1[..., 3]) ** 2) / 4.0
    v = (4.0 / (np.pi ** 2)) * (jnp.arctan(w2 / (h2 + eps)) - jnp.arctan(w1 / (h1 + eps))) ** 2
    alpha_t = v / (v - iou + 1.0 + eps)
    return iou - (rho2 / c2 + v * alpha_t)


def is_anchor_center_within_box(anchors, gt_bboxes):
    return jnp.all(jnp.logical_and(gt_bboxes[:, :, None, :2] < anchors, gt_bboxes[:, :, None, 2:] > anchors), axis=-1)


def _make_anchors():
    pts = []
    for stride in (8, 16, 32):
        n = 640 // stride
        c = (np.arange(n, dtype=np.float32) + 0.5) * stride
        xv, yv = np.meshgrid(c, c)
        pts.append(np.stack([xv.reshape(-1), yv.reshape(-1)], axis=-1))
    return np.concatenate(pts, axis=0).astype(np.float32)


def setup_inputs(seed: int = 0):
    key = jax.random.key(seed)
    B, G = 16, 64
    anchors_np = _make_anchors()
    A = anchors_np.shape[0]
    ks = jax.random.split(key, 10)
    scores = jax.random.uniform(ks[0], (B, A, NUM_CLASSES), dtype=jnp.float32)
    anchors = jnp.asarray(anchors_np)
    wh = jax.random.uniform(ks[1], (B, A, 2), minval=8.0, maxval=128.0, dtype=jnp.float32)
    ctr = anchors[None, :, :] + jax.random.normal(ks[2], (B, A, 2), dtype=jnp.float32) * 4.0
    decode_bboxes = jnp.concatenate([ctr - wh / 2.0, ctr + wh / 2.0], axis=-1)
    distances = jax.random.uniform(ks[3], (B, A), dtype=jnp.float32) * 100.0
    gt_ctr = jax.random.uniform(ks[4], (B, G, 2), minval=60.0, maxval=580.0, dtype=jnp.float32)
    gt_wh = jax.random.uniform(ks[5], (B, G, 2), minval=20.0, maxval=200.0, dtype=jnp.float32)
    gt_bboxes = jnp.concatenate([jnp.clip(gt_ctr - gt_wh / 2.0, 0.0, 640.0), jnp.clip(gt_ctr + gt_wh / 2.0, 0.0, 640.0)], axis=-1)
    gt_mask = jax.random.uniform(ks[6], (B, G, 1)) < 0.85
    gt_labels = jax.random.randint(ks[7], (B, G), 0, NUM_CLASSES, dtype=jnp.int32)
    gt_labels = jnp.where(gt_mask[..., 0], gt_labels, -1)
    gt_distances = jax.random.uniform(ks[8], (B, G), dtype=jnp.float32) * 100.0
    return {"scores": scores, "decode_bboxes": decode_bboxes, "distances": distances, "anchors": anchors, "gt_labels": gt_labels, "gt_bboxes": gt_bboxes, "gt_distances": gt_distances, "gt_mask": gt_mask}


def reference(scores, decode_bboxes, distances, anchors, gt_labels, gt_bboxes, gt_distances, gt_mask):
    num_anchors = anchors.shape[0]
    cls_idx = jnp.maximum(gt_labels[:, None, :], 0).astype(jnp.int32)
    bbox_scores = jnp.take_along_axis(scores, cls_idx, axis=-1)
    bbox_scores = jnp.transpose(bbox_scores, (0, 2, 1))
    overlaps = compute_ciou(gt_bboxes[:, :, None, :], decode_bboxes[:, None, :, :])
    alignment_metrics = jnp.power(bbox_scores, ALPHA) * jnp.power(overlaps, BETA)
    alignment_metrics = jnp.where(gt_mask, alignment_metrics, 0.0)
    matching_anchors_in_gt_boxes = is_anchor_center_within_box(anchors, gt_bboxes)
    alignment_metrics = jnp.where(matching_anchors_in_gt_boxes, alignment_metrics, 0.0)
    candidate_metrics, candidate_idxs = jax.lax.top_k(alignment_metrics, MAX_ANCHOR_MATCHES)
    candidate_idxs = jnp.where(candidate_metrics > 0, candidate_idxs, -1)
    anchors_matched_gt_box = jnp.zeros_like(overlaps)
    for k in range(MAX_ANCHOR_MATCHES):
        anchors_matched_gt_box = anchors_matched_gt_box + jax.nn.one_hot(candidate_idxs[:, :, k], num_anchors, dtype=overlaps.dtype)
    overlaps = overlaps * anchors_matched_gt_box
    gt_box_matches_per_anchor = jnp.argmax(overlaps, axis=1).astype(jnp.int32)
    gt_box_matches_per_anchor_mask = jnp.max(overlaps, axis=1) > 0
    bbox_labels = jnp.take_along_axis(gt_bboxes, gt_box_matches_per_anchor[:, :, None], axis=1)
    bbox_labels = jnp.where(gt_box_matches_per_anchor_mask[:, :, None], bbox_labels, -1.0)
    class_labels = jnp.take_along_axis(gt_labels, gt_box_matches_per_anchor, axis=1)
    class_labels = jnp.where(gt_box_matches_per_anchor_mask, class_labels, -1)
    dist_labels = jnp.take_along_axis(gt_distances, gt_box_matches_per_anchor, axis=1)
    dist_labels = jnp.where(gt_box_matches_per_anchor_mask, dist_labels, -1.0)
    class_labels_oh = jax.nn.one_hot(class_labels.astype(jnp.int32), NUM_CLASSES, dtype=scores.dtype)
    alignment_metrics = alignment_metrics * anchors_matched_gt_box
    max_alignment_per_gt_box = jnp.max(alignment_metrics, axis=-1, keepdims=True)
    max_overlap_per_gt_box = jnp.max(overlaps, axis=-1, keepdims=True)
    normalized_alignment_metrics = jnp.max(alignment_metrics * max_overlap_per_gt_box / (max_alignment_per_gt_box + EPSILON), axis=-2)
    class_labels_oh = class_labels_oh * normalized_alignment_metrics[:, :, None]
    dist_labels = dist_labels * normalized_alignment_metrics
    bbox_labels = bbox_labels.reshape(-1, num_anchors, 4)
    fg_mask = (gt_box_matches_per_anchor > -1).astype(jnp.float32)
    return (jax.lax.stop_gradient(bbox_labels), jax.lax.stop_gradient(class_labels_oh), jax.lax.stop_gradient(dist_labels), jax.lax.stop_gradient(fg_mask))

if __name__ == "__main__":
    import jax
    _d = setup_inputs()
    print(jax.jit(kernel)(*tuple(_d.values())))

</pallas_src>

<mosaic_0001>
#map = affine_map<(d0, d1) -> (0, 0)>
module attributes {stable_mosaic.version = 14 : i64} {
  func.func @_sc_cand_body(%arg0: i32, %arg1: i32, %arg2: memref<512x8400xf32, #tpu.memory_space<hbm>>, %arg3: memref<32x2560xf32, #tpu.memory_space<hbm>>, %arg4: memref<8400xf32, #tpu.memory_space<vmem>>, %arg5: memref<2560xf32, #tpu.memory_space<vmem>>) attributes {dimension_semantics = [#tpu.dimension_semantics<core_parallel>, #tpu.dimension_semantics<subcore_parallel>], iteration_bounds = array<i64: 2, 16>, scalar_prefetch = 0 : i64, scratch_operands = 2 : i64, tpu.core_type = #tpu.core_type<sc_vector_subcore>, window_params = [{transform_indices = #map}, {transform_indices = #map}]} {
    %mul3A = arith.constant 16 : i32
    %mul3A_0 = arith.muli %arg0, %mul3A : i32
    %add3A = arith.addi %mul3A_0, %arg1 : i32
    %scan3A = arith.constant 0 : i32
    %scan3A_1 = arith.constant 0 : i32
    %scan3A_2 = arith.constant 16 : i32
    %scan3A_3 = arith.addi %scan3A_1, %scan3A_2 : i32
    %scan3A_4 = arith.constant 1 : i32
    scf.for %scan3A_6 = %scan3A_1 to %scan3A_3 step %scan3A_4  : i32 {
      %mul3A_7 = arith.constant 16 : i32
      %mul3A_8 = arith.muli %add3A, %mul3A_7 : i32
      %add3A_9 = arith.addi %mul3A_8, %scan3A_6 : i32
      "tpu.region"() ({
        %run_scoped3A = tpu.sem_alloc : memref<!tpu.dma_semaphore, #tpu.memory_space<semaphore_mem>>
        %dma_start3A = arith.constant 0 : i32
        %dma_start3A_114 = tpu.memref_slice %arg2[%add3A_9, %dma_start3A] : memref<512x8400xf32, #tpu.memory_space<hbm>> -> memref<1x8400xf32, #tpu.memory_space<hbm>>
        %dma_start3A_115 = tpu.memref_squeeze %dma_start3A_114 : memref<1x8400xf32, #tpu.memory_space<hbm>> -> memref<8400xf32, #tpu.memory_space<hbm>>
        %dma_start3A_116 = arith.constant 0 : i32
        %dma_start3A_117 = tpu.memref_slice %arg2[%add3A_9, %dma_start3A_116] : memref<512x8400xf32, #tpu.memory_space<hbm>> -> memref<1x8400xf32, #tpu.memory_space<hbm>>
        %dma_start3A_118 = tpu.memref_squeeze %dma_start3A_117 : memref<1x8400xf32, #tpu.memory_space<hbm>> -> memref<8400xf32, #tpu.memory_space<hbm>>
        tpu.enqueue_dma source(%dma_start3A_118 : memref<8400xf32, #tpu.memory_space<hbm>>) target(%arg4 : memref<8400xf32, #tpu.memory_space<vmem>>) target_semaphore(%run_scoped3A : memref<!tpu.dma_semaphore, #tpu.memory_space<semaphore_mem>>)
        %dma_wait3A = arith.constant 0 : i32
        %dma_wait3A_119 = tpu.memref_slice %arg2[%add3A_9, %dma_wait3A] : memref<512x8400xf32, #tpu.memory_space<hbm>> -> memref<1x8400xf32, #tpu.memory_space<hbm>>
        %dma_wait3A_120 = tpu.memref_squeeze %dma_wait3A_119 : memref<1x8400xf32, #tpu.memory_space<hbm>> -> memref<8400xf32, #tpu.memory_space<hbm>>
        %dma_wait3A_121 = arith.constant 0 : i32
        %dma_wait3A_122 = tpu.memref_slice %arg2[%add3A_9, %dma_wait3A_121] : memref<512x8400xf32, #tpu.memory_space<hbm>> -> memref<1x8400xf32, #tpu.memory_space<hbm>>
        %dma_wait3A_123 = tpu.memref_squeeze %dma_wait3A_122 : memref<1x8400xf32, #tpu.memory_space<hbm>> -> memref<8400xf32, #tpu.memory_space<hbm>>
        tpu.wait_dma2 semaphore(%run_scoped3A : memref<!tpu.dma_semaphore, #tpu.memory_space<semaphore_mem>>) src(%dma_wait3A_123 : memref<8400xf32, #tpu.memory_space<hbm>>) dst(%arg4 : memref<8400xf32, #tpu.memory_space<vmem>>)
        tpu.yield
      }) : () -> ()
      %broadcast_in_dim3A = arith.constant -1.000000e+00 : f32
      %broadcast_in_dim3A_10 = vector.broadcast %broadcast_in_dim3A : f32 to vector<16xf32>
      %broadcast_in_dim3A_11 = arith.constant -1.000000e+00 : f32
      %broadcast_in_dim3A_12 = vector.broadcast %broadcast_in_dim3A_11 : f32 to vector<16xf32>
      %broadcast_in_dim3A_13 = arith.constant -1.000000e+00 : f32
      %broadcast_in_dim3A_14 = vector.broadcast %broadcast_in_dim3A_13 : f32 to vector<16xf32>
      %broadcast_in_dim3A_15 = arith.constant -1.000000e+00 : f32
      %broadcast_in_dim3A_16 = vector.broadcast %broadcast_in_dim3A_15 : f32 to vector<16xf32>
      %broadcast_in_dim3A_17 = arith.constant -1.000000e+00 : f32
      %broadcast_in_dim3A_18 = vector.broadcast %broadcast_in_dim3A_17 : f32 to vector<16xf32>
      %broadcast_in_dim3A_19 = arith.constant -1.000000e+00 : f32
      %broadcast_in_dim3A_20 = vector.broadcast %broadcast_in_dim3A_19 : f32 to vector<16xf32>
      %broadcast_in_dim3A_21 = arith.constant -1.000000e+00 : f32
      %broadcast_in_dim3A_22 = vector.broadcast %broadcast_in_dim3A_21 : f32 to vector<16xf32>
      %broadcast_in_dim3A_23 = arith.constant -1.000000e+00 : f32
      %broadcast_in_dim3A_24 = vector.broadcast %broadcast_in_dim3A_23 : f32 to vector<16xf32>
      %broadcast_in_dim3A_25 = arith.constant -1.000000e+00 : f32
      %broadcast_in_dim3A_26 = vector.broadcast %broadcast_in_dim3A_25 : f32 to vector<16xf32>
      %broadcast_in_dim3A_27 = arith.constant -1.000000e+00 : f32
      %broadcast_in_dim3A_28 = vector.broadcast %broadcast_in_dim3A_27 : f32 to vector<16xf32>
      %scan3A_29 = arith.constant 0 : i32
      %scan3A_30 = arith.constant 105 : i32
      %scan3A_31 = arith.addi %scan3A_29, %scan3A_30 : i32
      %scan3A_32 = arith.constant 1 : i32
      %scan3A_33:10 = scf.for %scan3A_114 = %scan3A_29 to %scan3A_31 step %scan3A_32 iter_args(%scan3A_115 = %broadcast_in_dim3A_10, %scan3A_116 = %broadcast_in_dim3A_12, %scan3A_117 = %broadcast_in_dim3A_14, %scan3A_118 = %broadcast_in_dim3A_16, %scan3A_119 = %broadcast_in_dim3A_18, %scan3A_120 = %broadcast_in_dim3A_20, %scan3A_121 = %broadcast_in_dim3A_22, %scan3A_122 = %broadcast_in_dim3A_24, %scan3A_123 = %broadcast_in_dim3A_26, %scan3A_124 = %broadcast_in_dim3A_28) -> (vector<16xf32>, vector<16xf32>, vector<16xf32>, vector<16xf32>, vector<16xf32>, vector<16xf32>, vector<16xf32>, vector<16xf32>, vector<16xf32>, vector<16xf32>)  : i32 {
        %mul3A_125 = arith.constant 5 : i32
        %mul3A_126 = arith.muli %scan3A_114, %mul3A_125 : i32
        %add3A_127 = arith.constant 0 : i32
        %add3A_128 = arith.addi %mul3A_126, %add3A_127 : i32
        %mul3A_129 = arith.constant 16 : i32
        %mul3A_130 = arith.muli %add3A_128, %mul3A_129 : i32
        %get3A = arith.index_cast %mul3A_130 : i32 to index
        %get3A_131 = tpu.vector_load %arg4[%get3A] {strides = array<i32>} : memref<8400xf32, #tpu.memory_space<vmem>>, vector<16xf32>,
        %get3A_132 = vector.shape_cast %get3A_131 : vector<16xf32> to vector<16xf32>
        %max3A = arith.maximumf %scan3A_115, %get3A_132 : vector<16xf32>
        %min3A = arith.minimumf %scan3A_115, %get3A_132 : vector<16xf32>
        %max3A_133 = arith.maximumf %scan3A_116, %min3A : vector<16xf32>
        %min3A_134 = arith.minimumf %scan3A_116, %min3A : vector<16xf32>
        %max3A_135 = arith.maximumf %scan3A_117, %min3A_134 : vector<16xf32>
        %min3A_136 = arith.minimumf %scan3A_117, %min3A_134 : vector<16xf32>
        %max3A_137 = arith.maximumf %scan3A_118, %min3A_136 : vector<16xf32>
        %min3A_138 = arith.minimumf %scan3A_118, %min3A_136 : vector<16xf32>
        %max3A_139 = arith.maximumf %scan3A_119, %min3A_138 : vector<16xf32>
        %min3A_140 = arith.minimumf %scan3A_119, %min3A_138 : vector<16xf32>
        %max3A_141 = arith.maximumf %scan3A_120, %min3A_140 : vector<16xf32>
        %min3A_142 = arith.minimumf %scan3A_120, %min3A_140 : vector<16xf32>
        %max3A_143 = arith.maximumf %scan3A_121, %min3A_142 : vector<16xf32>
        %min3A_144 = arith.minimumf %scan3A_121, %min3A_142 : vector<16xf32>
        %max3A_145 = arith.maximumf %scan3A_122, %min3A_144 : vector<16xf32>
        %min3A_146 = arith.minimumf %scan3A_122, %min3A_144 : vector<16xf32>
        %max3A_147 = arith.maximumf %scan3A_123, %min3A_146 : vector<16xf32>
        %min3A_148 = arith.minimumf %scan3A_123, %min3A_146 : vector<16xf32>
        %max3A_149 = arith.maximumf %scan3A_124, %min3A_148 : vector<16xf32>
        %min3A_150 = arith.minimumf %scan3A_124, %min3A_148 : vector<16xf32>
        %mul3A_151 = arith.constant 5 : i32
        %mul3A_152 = arith.muli %scan3A_114, %mul3A_151 : i32
        %add3A_153 = arith.constant 1 : i32
        %add3A_154 = arith.addi %mul3A_152, %add3A_153 : i32
        %mul3A_155 = arith.constant 16 : i32
        %mul3A_156 = arith.muli %add3A_154, %mul3A_155 : i32
        %get3A_157 = arith.index_cast %mul3A_156 : i32 to index
        %get3A_158 = tpu.vector_load %arg4[%get3A_157] {strides = array<i32>} : memref<8400xf32, #tpu.memory_space<vmem>>, vector<16xf32>,
        %get3A_159 = vector.shape_cast %get3A_158 : vector<16xf32> to vector<16xf32>
        %max3A_160 = arith.maximumf %max3A, %get3A_159 : vector<16xf32>
        %min3A_161 = arith.minimumf %max3A, %get3A_159 : vector<16xf32>
        %max3A_162 = arith.maximumf %max3A_133, %min3A_161 : vector<16xf32>
        %min3A_163 = arith.minimumf %max3A_133, %min3A_161 : vector<16xf32>
        %max3A_164 = arith.maximumf %max3A_135, %min3A_163 : vector<16xf32>
        %min3A_165 = arith.minimumf %max3A_135, %min3A_163 : vector<16xf32>
        %max3A_166 = arith.maximumf %max3A_137, %min3A_165 : vector<16xf32>
        %min3A_167 = arith.minimumf %max3A_137, %min3A_165 : vector<16xf32>
        %max3A_168 = arith.maximumf %max3A_139, %min3A_167 : vector<16xf32>
        %min3A_169 = arith.minimumf %max3A_139, %min3A_167 : vector<16xf32>
        %max3A_170 = arith.maximumf %max3A_141, %min3A_169 : vector<16xf32>
        %min3A_171 = arith.minimumf %max3A_141, %min3A_169 : vector<16xf32>
        %max3A_172 = arith.maximumf %max3A_143, %min3A_171 : vector<16xf32>
        %min3A_173 = arith.minimumf %max3A_143, %min3A_171 : vector<16xf32>
        %max3A_174 = arith.maximumf %max3A_145, %min3A_173 : vector<16xf32>
        %min3A_175 = arith.minimumf %max3A_145, %min3A_173 : vector<16xf32>
        %max3A_176 = arith.maximumf %max3A_147, %min3A_175 : vector<16xf32>
        %min3A_177 = arith.minimumf %max3A_147, %min3A_175 : vector<16xf32>
        %max3A_178 = arith.maximumf %max3A_149, %min3A_177 : vector<16xf32>
        %min3A_179 = arith.minimumf %max3A_149, %min3A_177 : vector<16xf32>
        %mul3A_180 = arith.constant 5 : i32
        %mul3A_181 = arith.muli %scan3A_114, %mul3A_180 : i32
        %add3A_182 = arith.constant 2 : i32
        %add3A_183 = arith.addi %mul3A_181, %add3A_182 : i32
        %mul3A_184 = arith.constant 16 : i32
        %mul3A_185 = arith.muli %add3A_183, %mul3A_184 : i32
        %get3A_186 = arith.index_cast %mul3A_185 : i32 to index
        %get3A_187 = tpu.vector_load %arg4[%get3A_186] {strides = array<i32>} : memref<8400xf32, #tpu.memory_space<vmem>>, vector<16xf32>,
        %get3A_188 = vector.shape_cast %get3A_187 : vector<16xf32> to vector<16xf32>
        %max3A_189 = arith.maximumf %max3A_160, %get3A_188 : vector<16xf32>
        %min3A_190 = arith.minimumf %max3A_160, %get3A_188 : vector<16xf32>
        %max3A_191 = arith.maximumf %max3A_162, %min3A_190 : vector<16xf32>
        %min3A_192 = arith.minimumf %max3A_162, %min3A_190 : vector<16xf32>
        %max3A_193 = arith.maximumf %max3A_164, %min3A_192 : vector<16xf32>
        %min3A_194 = arith.minimumf %max3A_164, %min3A_192 : vector<16xf32>
        %max3A_195 = arith.maximumf %max3A_166, %min3A_194 : vector<16xf32>
        %min3A_196 = arith.minimumf %max3A_166, %min3A_194 : vector<16xf32>
        %max3A_197 = arith.maximumf %max3A_168, %min3A_196 : vector<16xf32>
        %min3A_198 = arith.minimumf %max3A_168, %min3A_196 : vector<16xf32>
        %max3A_199 = arith.maximumf %max3A_170, %min3A_198 : vector<16xf32>
        %min3A_200 = arith.minimumf %max3A_170, %min3A_198 : vector<16xf32>
        %max3A_201 = arith.maximumf %max3A_172, %min3A_200 : vector<16xf32>
        %min3A_202 = arith.minimumf %max3A_172, %min3A_200 : vector<16xf32>
        %max3A_203 = arith.maximumf %max3A_174, %min3A_202 : vector<16xf32>
        %min3A_204 = arith.minimumf %max3A_174, %min3A_202 : vector<16xf32>
        %max3A_205 = arith.maximumf %max3A_176, %min3A_204 : vector<16xf32>
        %min3A_206 = arith.minimumf %max3A_176, %min3A_204 : vector<16xf32>
        %max3A_207 = arith.maximumf %max3A_178, %min3A_206 : vector<16xf32>
        %min3A_208 = arith.minimumf %max3A_178, %min3A_206 : vector<16xf32>
        %mul3A_209 = arith.constant 5 : i32
        %mul3A_210 = arith.muli %scan3A_114, %mul3A_209 : i32
        %add3A_211 = arith.constant 3 : i32
        %add3A_212 = arith.addi %mul3A_210, %add3A_211 : i32
        %mul3A_213 = arith.constant 16 : i32
        %mul3A_214 = arith.muli %add3A_212, %mul3A_213 : i32
        %get3A_215 = arith.index_cast %mul3A_214 : i32 to index
        %get3A_216 = tpu.vector_load %arg4[%get3A_215] {strides = array<i32>} : memref<8400xf32, #tpu.memory_space<vmem>>, vector<16xf32>,
        %get3A_217 = vector.shape_cast %get3A_216 : vector<16xf32> to vector<16xf32>
        %max3A_218 = arith.maximumf %max3A_189, %get3A_217 : vector<16xf32>
        %min3A_219 = arith.minimumf %max3A_189, %get3A_217 : vector<16xf32>
        %max3A_220 = arith.maximumf %max3A_191, %min3A_219 : vector<16xf32>
        %min3A_221 = arith.minimumf %max3A_191, %min3A_219 : vector<16xf32>
        %max3A_222 = arith.maximumf %max3A_193, %min3A_221 : vector<16xf32>
        %min3A_223 = arith.minimumf %max3A_193, %min3A_221 : vector<16xf32>
        %max3A_224 = arith.maximumf %max3A_195, %min3A_223 : vector<16xf32>
        %min3A_225 = arith.minimumf %max3A_195, %min3A_223 : vector<16xf32>
        %max3A_226 = arith.maximumf %max3A_197, %min3A_225 : vector<16xf32>
        %min3A_227 = arith.minimumf %max3A_197, %min3A_225 : vector<16xf32>
        %max3A_228 = arith.maximumf %max3A_199, %min3A_227 : vector<16xf32>
        %min3A_229 = arith.minimumf %max3A_199, %min3A_227 : vector<16xf32>
        %max3A_230 = arith.maximumf %max3A_201, %min3A_229 : vector<16xf32>
        %min3A_231 = arith.minimumf %max3A_201, %min3A_229 : vector<16xf32>
        %max3A_232 = arith.maximumf %max3A_203, %min3A_231 : vector<16xf32>
        %min3A_233 = arith.minimumf %max3A_203, %min3A_231 : vector<16xf32>
        %max3A_234 = arith.maximumf %max3A_205, %min3A_233 : vector<16xf32>
        %min3A_235 = arith.minimumf %max3A_205, %min3A_233 : vector<16xf32>
        %max3A_236 = arith.maximumf %max3A_207, %min3A_235 : vector<16xf32>
        %min3A_237 = arith.minimumf %max3A_207, %min3A_235 : vector<16xf32>
        %mul3A_238 = arith.constant 5 : i32
        %mul3A_239 = arith.muli %scan3A_114, %mul3A_238 : i32
        %add3A_240 = arith.constant 4 : i32
        %add3A_241 = arith.addi %mul3A_239, %add3A_240 : i32
        %mul3A_242 = arith.constant 16 : i32
        %mul3A_243 = arith.muli %add3A_241, %mul3A_242 : i32
        %get3A_244 = arith.index_cast %mul3A_243 : i32 to index
        %get3A_245 = tpu.vector_load %arg4[%get3A_244] {strides = array<i32>} : memref<8400xf32, #tpu.memory_space<vmem>>, vector<16xf32>,
        %get3A_246 = vector.shape_cast %get3A_245 : vector<16xf32> to vector<16xf32>
        %max3A_247 = arith.maximumf %max3A_218, %get3A_246 : vector<16xf32>
        %min3A_248 = arith.minimumf %max3A_218, %get3A_246 : vector<16xf32>
        %max3A_249 = arith.maximumf %max3A_220, %min3A_248 : vector<16xf32>
        %min3A_250 = arith.minimumf %max3A_220, %min3A_248 : vector<16xf32>
        %max3A_251 = arith.maximumf %max3A_222, %min3A_250 : vector<16xf32>
        %min3A_252 = arith.minimumf %max3A_222, %min3A_250 : vector<16xf32>
        %max3A_253 = arith.maximumf %max3A_224, %min3A_252 : vector<16xf32>
        %min3A_254 = arith.minimumf %max3A_224, %min3A_252 : vector<16xf32>
        %max3A_255 = arith.maximumf %max3A_226, %min3A_254 : vector<16xf32>
        %min3A_256 = arith.minimumf %max3A_226, %min3A_254 : vector<16xf32>
        %max3A_257 = arith.maximumf %max3A_228, %min3A_256 : vector<16xf32>
        %min3A_258 = arith.minimumf %max3A_228, %min3A_256 : vector<16xf32>
        %max3A_259 = arith.maximumf %max3A_230, %min3A_258 : vector<16xf32>
        %min3A_260 = arith.minimumf %max3A_230, %min3A_258 : vector<16xf32>
        %max3A_261 = arith.maximumf %max3A_232, %min3A_260 : vector<16xf32>
        %min3A_262 = arith.minimumf %max3A_232, %min3A_260 : vector<16xf32>
        %max3A_263 = arith.maximumf %max3A_234, %min3A_262 : vector<16xf32>
        %min3A_264 = arith.minimumf %max3A_234, %min3A_262 : vector<16xf32>
        %max3A_265 = arith.maximumf %max3A_236, %min3A_264 : vector<16xf32>
        %min3A_266 = arith.minimumf %max3A_236, %min3A_264 : vector<16xf32>
        scf.yield %max3A_247, %max3A_249, %max3A_251, %max3A_253, %max3A_255, %max3A_257, %max3A_259, %max3A_261, %max3A_263, %max3A_265 : vector<16xf32>, vector<16xf32>, vector<16xf32>, vector<16xf32>, vector<16xf32>, vector<16xf32>, vector<16xf32>, vector<16xf32>, vector<16xf32>, vector<16xf32>
      }
      %scan3A_34 = arith.constant 105 : i32
      %mul3A_35 = arith.constant 160 : i32
      %mul3A_36 = arith.muli %scan3A_6, %mul3A_35 : i32
      %add3A_37 = arith.constant 0 : i32
      %add3A_38 = arith.addi %mul3A_36, %add3A_37 : i32
      %swap3A = arith.index_cast %add3A_38 : i32 to index
      %swap3A_39 = tpu.vector_load %arg5[%swap3A] {strides = array<i32>} : memref<2560xf32, #tpu.memory_space<vmem>>, vector<16xf32>,
      %swap3A_40 = vector.shape_cast %swap3A_39 : vector<16xf32> to vector<16xf32>
      %swap3A_41 = vector.shape_cast %scan3A_33#0 : vector<16xf32> to vector<16xf32>
      tpu.vector_store %arg5[%swap3A], %swap3A_41 {strides = array<i32>} : memref<2560xf32, #tpu.memory_space<vmem>>, vector<16xf32>,
      %mul3A_42 = arith.constant 160 : i32
      %mul3A_43 = arith.muli %scan3A_6, %mul3A_42 : i32
      %add3A_44 = arith.constant 16 : i32
      %add3A_45 = arith.addi %mul3A_43, %add3A_44 : i32
      %swap3A_46 = arith.index_cast %add3A_45 : i32 to index
      %swap3A_47 = tpu.vector_load %arg5[%swap3A_46] {strides = array<i32>} : memref<2560xf32, #tpu.memory_space<vmem>>, vector<16xf32>,
      %swap3A_48 = vector.shape_cast %swap3A_47 : vector<16xf32> to vector<16xf32>
      %swap3A_49 = vector.shape_cast %scan3A_33#1 : vector<16xf32> to vector<16xf32>
      tpu.vector_store %arg5[%swap3A_46], %swap3A_49 {strides = array<i32>} : memref<2560xf32, #tpu.memory_space<vmem>>, vector<16xf32>,
      %mul3A_50 = arith.constant 160 : i32
      %mul3A_51 = arith.muli %scan3A_6, %mul3A_50 : i32
      %add3A_52 = arith.constant 32 : i32
      %add3A_53 = arith.addi %mul3A_51, %add3A_52 : i32
      %swap3A_54 = arith.index_cast %add3A_53 : i32 to index
      %swap3A_55 = tpu.vector_load %arg5[%swap3A_54] {strides = array<i32>} : memref<2560xf32, #tpu.memory_space<vmem>>, vector<16xf32>,
      %swap3A_56 = vector.shape_cast %swap3A_55 : vector<16xf32> to vector<16xf32>
      %swap3A_57 = vector.shape_cast %scan3A_33#2 : vector<16xf32> to vector<16xf32>
      tpu.vector_store %arg5[%swap3A_54], %swap3A_57 {strides = array<i32>} : memref<2560xf32, #tpu.memory_space<vmem>>, vector<16xf32>,
      %mul3A_58 = arith.constant 160 : i32
      %mul3A_59 = arith.muli %scan3A_6, %mul3A_58 : i32
      %add3A_60 = arith.constant 48 : i32
      %add3A_61 = arith.addi %mul3A_59, %add3A_60 : i32
      %swap3A_62 = arith.index_cast %add3A_61 : i32 to index
      %swap3A_63 = tpu.vector_load %arg5[%swap3A_62] {strides = array<i32>} : memref<2560xf32, #tpu.memory_space<vmem>>, vector<16xf32>,
      %swap3A_64 = vector.shape_cast %swap3A_63 : vector<16xf32> to vector<16xf32>
      %swap3A_65 = vector.shape_cast %scan3A_33#3 : vector<16xf32> to vector<16xf32>
      tpu.vector_store %arg5[%swap3A_62], %swap3A_65 {strides = array<i32>} : memref<2560xf32, #tpu.memory_space<vmem>>, vector<16xf32>,
      %mul3A_66 = arith.constant 160 : i32
      %mul3A_67 = arith.muli %scan3A_6, %mul3A_66 : i32
      %add3A_68 = arith.constant 64 : i32
      %add3A_69 = arith.addi %mul3A_67, %add3A_68 : i32
      %swap3A_70 = arith.index_cast %add3A_69 : i32 to index
      %swap3A_71 = tpu.vector_load %arg5[%swap3A_70] {strides = array<i32>} : memref<2560xf32, #tpu.memory_space<vmem>>, vector<16xf32>,
      %swap3A_72 = vector.shape_cast %swap3A_71 : vector<16xf32> to vector<16xf32>
      %swap3A_73 = vector.shape_cast %scan3A_33#4 : vector<16xf32> to vector<16xf32>
      tpu.vector_store %arg5[%swap3A_70], %swap3A_73 {strides = array<i32>} : memref<2560xf32, #tpu.memory_space<vmem>>, vector<16xf32>,
      %mul3A_74 = arith.constant 160 : i32
      %mul3A_75 = arith.muli %scan3A_6, %mul3A_74 : i32
      %add3A_76 = arith.constant 80 : i32
      %add3A_77 = arith.addi %mul3A_75, %add3A_76 : i32
      %swap3A_78 = arith.index_cast %add3A_77 : i32 to index
      %swap3A_79 = tpu.vector_load %arg5[%swap3A_78] {strides = array<i32>} : memref<2560xf32, #tpu.memory_space<vmem>>, vector<16xf32>,
      %swap3A_80 = vector.shape_cast %swap3A_79 : vector<16xf32> to vector<16xf32>
      %swap3A_81 = vector.shape_cast %scan3A_33#5 : vector<16xf32> to vector<16xf32>
      tpu.vector_store %arg5[%swap3A_78], %swap3A_81 {strides = array<i32>} : memref<2560xf32, #tpu.memory_space<vmem>>, vector<16xf32>,
      %mul3A_82 = arith.constant 160 : i32
      %mul3A_83 = arith.muli %scan3A_6, %mul3A_82 : i32
      %add3A_84 = arith.constant 96 : i32
      %add3A_85 = arith.addi %mul3A_83, %add3A_84 : i32
      %swap3A_86 = arith.index_cast %add3A_85 : i32 to index
      %swap3A_87 = tpu.vector_load %arg5[%swap3A_86] {strides = array<i32>} : memref<2560xf32, #tpu.memory_space<vmem>>, vector<16xf32>,
      %swap3A_88 = vector.shape_cast %swap3A_87 : vector<16xf32> to vector<16xf32>
      %swap3A_89 = vector.shape_cast %scan3A_33#6 : vector<16xf32> to vector<16xf32>
      tpu.vector_store %arg5[%swap3A_86], %swap3A_89 {strides = array<i32>} : memref<2560xf32, #tpu.memory_space<vmem>>, vector<16xf32>,
      %mul3A_90 = arith.constant 160 : i32
      %mul3A_91 = arith.muli %scan3A_6, %mul3A_90 : i32
      %add3A_92 = arith.constant 112 : i32
      %add3A_93 = arith.addi %mul3A_91, %add3A_92 : i32
      %swap3A_94 = arith.index_cast %add3A_93 : i32 to index
      %swap3A_95 = tpu.vector_load %arg5[%swap3A_94] {strides = array<i32>} : memref<2560xf32, #tpu.memory_space<vmem>>, vector<16xf32>,
      %swap3A_96 = vector.shape_cast %swap3A_95 : vector<16xf32> to vector<16xf32>
      %swap3A_97 = vector.shape_cast %scan3A_33#7 : vector<16xf32> to vector<16xf32>
      tpu.vector_store %arg5[%swap3A_94], %swap3A_97 {strides = array<i32>} : memref<2560xf32, #tpu.memory_space<vmem>>, vector<16xf32>,
      %mul3A_98 = arith.constant 160 : i32
      %mul3A_99 = arith.muli %scan3A_6, %mul3A_98 : i32
      %add3A_100 = arith.constant 128 : i32
      %add3A_101 = arith.addi %mul3A_99, %add3A_100 : i32
      %swap3A_102 = arith.index_cast %add3A_101 : i32 to index
      %swap3A_103 = tpu.vector_load %arg5[%swap3A_102] {strides = array<i32>} : memref<2560xf32, #tpu.memory_space<vmem>>, vector<16xf32>,
      %swap3A_104 = vector.shape_cast %swap3A_103 : vector<16xf32> to vector<16xf32>
      %swap3A_105 = vector.shape_cast %scan3A_33#8 : vector<16xf32> to vector<16xf32>
      tpu.vector_store %arg5[%swap3A_102], %swap3A_105 {strides = array<i32>} : memref<2560xf32, #tpu.memory_space<vmem>>, vector<16xf32>,
      %mul3A_106 = arith.constant 160 : i32
      %mul3A_107 = arith.muli %scan3A_6, %mul3A_106 : i32
      %add3A_108 = arith.constant 144 : i32
      %add3A_109 = arith.addi %mul3A_107, %add3A_108 : i32
      %swap3A_110 = arith.index_cast %add3A_109 : i32 to index
      %swap3A_111 = tpu.vector_load %arg5[%swap3A_110] {strides = array<i32>} : memref<2560xf32, #tpu.memory_space<vmem>>, vector<16xf32>,
      %swap3A_112 = vector.shape_cast %swap3A_111 : vector<16xf32> to vector<16xf32>
      %swap3A_113 = vector.shape_cast %scan3A_33#9 : vector<16xf32> to vector<16xf32>
      tpu.vector_store %arg5[%swap3A_110], %swap3A_113 {strides = array<i32>} : memref<2560xf32, #tpu.memory_space<vmem>>, vector<16xf32>,
    }
    %scan3A_5 = arith.constant 16 : i32
    "tpu.region"() ({
      %run_scoped3A = tpu.sem_alloc : memref<!tpu.dma_semaphore, #tpu.memory_space<semaphore_mem>>
      %dma_start3A = arith.constant 0 : i32
      %dma_start3A_6 = tpu.memref_slice %arg3[%add3A, %dma_start3A] : memref<32x2560xf32, #tpu.memory_space<hbm>> -> memref<1x2560xf32, #tpu.memory_space<hbm>>
      %dma_start3A_7 = tpu.memref_squeeze %dma_start3A_6 : memref<1x2560xf32, #tpu.memory_space<hbm>> -> memref<2560xf32, #tpu.memory_space<hbm>>
      %dma_start3A_8 = arith.constant 0 : i32
      %dma_start3A_9 = tpu.memref_slice %arg3[%add3A, %dma_start3A_8] : memref<32x2560xf32, #tpu.memory_space<hbm>> -> memref<1x2560xf32, #tpu.memory_space<hbm>>
      %dma_start3A_10 = tpu.memref_squeeze %dma_start3A_9 : memref<1x2560xf32, #tpu.memory_space<hbm>> -> memref<2560xf32, #tpu.memory_space<hbm>>
      tpu.enqueue_dma source(%arg5 : memref<2560xf32, #tpu.memory_space<vmem>>) target(%dma_start3A_10 : memref<2560xf32, #tpu.memory_space<hbm>>) target_semaphore(%run_scoped3A : memref<!tpu.dma_semaphore, #tpu.memory_space<semaphore_mem>>)
      %dma_wait3A = arith.constant 0 : i32
      %dma_wait3A_11 = tpu.memref_slice %arg3[%add3A, %dma_wait3A] : memref<32x2560xf32, #tpu.memory_space<hbm>> -> memref<1x2560xf32, #tpu.memory_space<hbm>>
      %dma_wait3A_12 = tpu.memref_squeeze %dma_wait3A_11 : memref<1x2560xf32, #tpu.memory_space<hbm>> -> memref<2560xf32, #tpu.memory_space<hbm>>
      %dma_wait3A_13 = arith.constant 0 : i32
      %dma_wait3A_14 = tpu.memref_slice %arg3[%add3A, %dma_wait3A_13] : memref<32x2560xf32, #tpu.memory_space<hbm>> -> memref<1x2560xf32, #tpu.memory_space<hbm>>
      %dma_wait3A_15 = tpu.memref_squeeze %dma_wait3A_14 : memref<1x2560xf32, #tpu.memory_space<hbm>> -> memref<2560xf32, #tpu.memory_space<hbm>>
      tpu.wait_dma2 semaphore(%run_scoped3A : memref<!tpu.dma_semaphore, #tpu.memory_space<semaphore_mem>>) src(%arg5 : memref<2560xf32, #tpu.memory_space<vmem>>) dst(%dma_wait3A_15 : memref<2560xf32, #tpu.memory_space<hbm>>)
      tpu.yield
    }) : () -> ()
    return
  }
}

#map = affine_map<(d0, d1) -> (0, 0)>
module attributes {stable_mosaic.version = 14 : i64} {
  func.func @_sc_cand_body(%arg0: i32, %arg1: i32, %arg2: memref<512x8400xf32, #tpu.memory_space<hbm>>, %arg3: memref<32x2560xf32, #tpu.memory_space<hbm>>, %arg4: memref<8400xf32, #tpu.memory_space<vmem>>, %arg5: memref<2560xf32, #tpu.memory_space<vmem>>) attributes {dimension_semantics = [#tpu.dimension_semantics<core_parallel>, #tpu.dimension_semantics<subcore_parallel>], iteration_bounds = array<i64: 2, 16>, scalar_prefetch = 0 : i64, scratch_operands = 2 : i64, tpu.core_type = #tpu.core_type<sc_vector_subcore>, window_params = [{transform_indices = #map}, {transform_indices = #map}]} {
    %mul3A = arith.constant 16 : i32
    %mul3A_0 = arith.muli %arg0, %mul3A : i32
    %add3A = arith.addi %mul3A_0, %arg1 : i32
    %scan3A = arith.constant 0 : i32
    %scan3A_1 = arith.constant 0 : i32
    %scan3A_2 = arith.constant 16 : i32
    %scan3A_3 = arith.addi %scan3A_1, %scan3A_2 : i32
    %scan3A_4 = arith.constant 1 : i32
    scf.for %scan3A_6 = %scan3A_1 to %scan3A_3 step %scan3A_4  : i32 {
      %mul3A_7 = arith.constant 16 : i32
      %mul3A_8 = arith.muli %add3A, %mul3A_7 : i32
      %add3A_9 = arith.addi %mul3A_8, %scan3A_6 : i32
      "tpu.region"() ({
        %run_scoped3A = tpu.sem_alloc : memref<!tpu.dma_semaphore, #tpu.memory_space<semaphore_mem>>
        %dma_start3A = arith.constant 0 : i32
        %dma_start3A_114 = tpu.memref_slice %arg2[%add3A_9, %dma_start3A] : memref<512x8400xf32, #tpu.memory_space<hbm>> -> memref<1x8400xf32, #tpu.memory_space<hbm>>
        %dma_start3A_115 = tpu.memref_squeeze %dma_start3A_114 : memref<1x8400xf32, #tpu.memory_space<hbm>> -> memref<8400xf32, #tpu.memory_space<hbm>>
        %dma_start3A_116 = arith.constant 0 : i32
        %dma_start3A_117 = tpu.memref_slice %arg2[%add3A_9, %dma_start3A_116] : memref<512x8400xf32, #tpu.memory_space<hbm>> -> memref<1x8400xf32, #tpu.memory_space<hbm>>
        %dma_start3A_118 = tpu.memref_squeeze %dma_start3A_117 : memref<1x8400xf32, #tpu.memory_space<hbm>> -> memref<8400xf32, #tpu.memory_space<hbm>>
        tpu.enqueue_dma source(%dma_start3A_118 : memref<8400xf32, #tpu.memory_space<hbm>>) target(%arg4 : memref<8400xf32, #tpu.memory_space<vmem>>) target_semaphore(%run_scoped3A : memref<!tpu.dma_semaphore, #tpu.memory_space<semaphore_mem>>)
        %dma_wait3A = arith.constant 0 : i32
        %dma_wait3A_119 = tpu.memref_slice %arg2[%add3A_9, %dma_wait3A] : memref<512x8400xf32, #tpu.memory_space<hbm>> -> memref<1x8400xf32, #tpu.memory_space<hbm>>
        %dma_wait3A_120 = tpu.memref_squeeze %dma_wait3A_119 : memref<1x8400xf32, #tpu.memory_space<hbm>> -> memref<8400xf32, #tpu.memory_space<hbm>>
        %dma_wait3A_121 = arith.constant 0 : i32
        %dma_wait3A_122 = tpu.memref_slice %arg2[%add3A_9, %dma_wait3A_121] : memref<512x8400xf32, #tpu.memory_space<hbm>> -> memref<1x8400xf32, #tpu.memory_space<hbm>>
        %dma_wait3A_123 = tpu.memref_squeeze %dma_wait3A_122 : memref<1x8400xf32, #tpu.memory_space<hbm>> -> memref<8400xf32, #tpu.memory_space<hbm>>
        tpu.wait_dma2 semaphore(%run_scoped3A : memref<!tpu.dma_semaphore, #tpu.memory_space<semaphore_mem>>) src(%dma_wait3A_123 : memref<8400xf32, #tpu.memory_space<hbm>>) dst(%arg4 : memref<8400xf32, #tpu.memory_space<vmem>>)
        tpu.yield
      }) : () -> ()
      %broadcast_in_dim3A = arith.constant -1.000000e+00 : f32
      %broadcast_in_dim3A_10 = vector.broadcast %broadcast_in_dim3A : f32 to vector<16xf32>
      %broadcast_in_dim3A_11 = arith.constant -1.000000e+00 : f32
      %broadcast_in_dim3A_12 = vector.broadcast %broadcast_in_dim3A_11 : f32 to vector<16xf32>
      %broadcast_in_dim3A_13 = arith.constant -1.000000e+00 : f32
      %broadcast_in_dim3A_14 = vector.broadcast %broadcast_in_dim3A_13 : f32 to vector<16xf32>
      %broadcast_in_dim3A_15 = arith.constant -1.000000e+00 : f32
      %broadcast_in_dim3A_16 = vector.broadcast %broadcast_in_dim3A_15 : f32 to vector<16xf32>
      %broadcast_in_dim3A_17 = arith.constant -1.000000e+00 : f32
      %broadcast_in_dim3A_18 = vector.broadcast %broadcast_in_dim3A_17 : f32 to vector<16xf32>
      %broadcast_in_dim3A_19 = arith.constant -1.000000e+00 : f32
      %broadcast_in_dim3A_20 = vector.broadcast %broadcast_in_dim3A_19 : f32 to vector<16xf32>
      %broadcast_in_dim3A_21 = arith.constant -1.000000e+00 : f32
      %broadcast_in_dim3A_22 = vector.broadcast %broadcast_in_dim3A_21 : f32 to vector<16xf32>
      %broadcast_in_dim3A_23 = arith.constant -1.000000e+00 : f32
      %broadcast_in_dim3A_24 = vector.broadcast %broadcast_in_dim3A_23 : f32 to vector<16xf32>
      %broadcast_in_dim3A_25 = arith.constant -1.000000e+00 : f32
      %broadcast_in_dim3A_26 = vector.broadcast %broadcast_in_dim3A_25 : f32 to vector<16xf32>
      %broadcast_in_dim3A_27 = arith.constant -1.000000e+00 : f32
      %broadcast_in_dim3A_28 = vector.broadcast %broadcast_in_dim3A_27 : f32 to vector<16xf32>
      %scan3A_29 = arith.constant 0 : i32
      %scan3A_30 = arith.constant 105 : i32
      %scan3A_31 = arith.addi %scan3A_29, %scan3A_30 : i32
      %scan3A_32 = arith.constant 1 : i32
      %scan3A_33:10 = scf.for %scan3A_114 = %scan3A_29 to %scan3A_31 step %scan3A_32 iter_args(%scan3A_115 = %broadcast_in_dim3A_10, %scan3A_116 = %broadcast_in_dim3A_12, %scan3A_117 = %broadcast_in_dim3A_14, %scan3A_118 = %broadcast_in_dim3A_16, %scan3A_119 = %broadcast_in_dim3A_18, %scan3A_120 = %broadcast_in_dim3A_20, %scan3A_121 = %broadcast_in_dim3A_22, %scan3A_122 = %broadcast_in_dim3A_24, %scan3A_123 = %broadcast_in_dim3A_26, %scan3A_124 = %broadcast_in_dim3A_28) -> (vector<16xf32>, vector<16xf32>, vector<16xf32>, vector<16xf32>, vector<16xf32>, vector<16xf32>, vector<16xf32>, vector<16xf32>, vector<16xf32>, vector<16xf32>)  : i32 {
        %mul3A_125 = arith.constant 5 : i32
        %mul3A_126 = arith.muli %scan3A_114, %mul3A_125 : i32
        %add3A_127 = arith.constant 0 : i32
        %add3A_128 = arith.addi %mul3A_126, %add3A_127 : i32
        %mul3A_129 = arith.constant 16 : i32
        %mul3A_130 = arith.muli %add3A_128, %mul3A_129 : i32
        %get3A = arith.index_cast %mul3A_130 : i32 to index
        %get3A_131 = tpu.vector_load %arg4[%get3A] {strides = array<i32>} : memref<8400xf32, #tpu.memory_space<vmem>>, vector<16xf32>,
        %get3A_132 = vector.shape_cast %get3A_131 : vector<16xf32> to vector<16xf32>
        %max3A = arith.maximumf %scan3A_115, %get3A_132 : vector<16xf32>
        %min3A = arith.minimumf %scan3A_115, %get3A_132 : vector<16xf32>
        %max3A_133 = arith.maximumf %scan3A_116, %min3A : vector<16xf32>
        %min3A_134 = arith.minimumf %scan3A_116, %min3A : vector<16xf32>
        %max3A_135 = arith.maximumf %scan3A_117, %min3A_134 : vector<16xf32>
        %min3A_136 = arith.minimumf %scan3A_117, %min3A_134 : vector<16xf32>
        %max3A_137 = arith.maximumf %scan3A_118, %min3A_136 : vector<16xf32>
        %min3A_138 = arith.minimumf %scan3A_118, %min3A_136 : vector<16xf32>
        %max3A_139 = arith.maximumf %scan3A_119, %min3A_138 : vector<16xf32>
        %min3A_140 = arith.minimumf %scan3A_119, %min3A_138 : vector<16xf32>
        %max3A_141 = arith.maximumf %scan3A_120, %min3A_140 : vector<16xf32>
        %min3A_142 = arith.minimumf %scan3A_120, %min3A_140 : vector<16xf32>
        %max3A_143 = arith.maximumf %scan3A_121, %min3A_142 : vector<16xf32>
        %min3A_144 = arith.minimumf %scan3A_121, %min3A_142 : vector<16xf32>
        %max3A_145 = arith.maximumf %scan3A_122, %min3A_144 : vector<16xf32>
        %min3A_146 = arith.minimumf %scan3A_122, %min3A_144 : vector<16xf32>
        %max3A_147 = arith.maximumf %scan3A_123, %min3A_146 : vector<16xf32>
        %min3A_148 = arith.minimumf %scan3A_123, %min3A_146 : vector<16xf32>
        %max3A_149 = arith.maximumf %scan3A_124, %min3A_148 : vector<16xf32>
        %min3A_150 = arith.minimumf %scan3A_124, %min3A_148 : vector<16xf32>
        %mul3A_151 = arith.constant 5 : i32
        %mul3A_152 = arith.muli %scan3A_114, %mul3A_151 : i32
        %add3A_153 = arith.constant 1 : i32
        %add3A_154 = arith.addi %mul3A_152, %add3A_153 : i32
        %mul3A_155 = arith.constant 16 : i32
        %mul3A_156 = arith.muli %add3A_154, %mul3A_155 : i32
        %get3A_157 = arith.index_cast %mul3A_156 : i32 to index
        %get3A_158 = tpu.vector_load %arg4[%get3A_157] {strides = array<i32>} : memref<8400xf32, #tpu.memory_space<vmem>>, vector<16xf32>,
        %get3A_159 = vector.shape_cast %get3A_158 : vector<16xf32> to vector<16xf32>
        %max3A_160 = arith.maximumf %max3A, %get3A_159 : vector<16xf32>
        %min3A_161 = arith.minimumf %max3A, %get3A_159 : vector<16xf32>
        %max3A_162 = arith.maximumf %max3A_133, %min3A_161 : vector<16xf32>
        %min3A_163 = arith.minimumf %max3A_133, %min3A_161 : vector<16xf32>
        %max3A_164 = arith.maximumf %max3A_135, %min3A_163 : vector<16xf32>
        %min3A_165 = arith.minimumf %max3A_135, %min3A_163 : vector<16xf32>
        %max3A_166 = arith.maximumf %max3A_137, %min3A_165 : vector<16xf32>
        %min3A_167 = arith.minimumf %max3A_137, %min3A_165 : vector<16xf32>
        %max3A_168 = arith.maximumf %max3A_139, %min3A_167 : vector<16xf32>
        %min3A_169 = arith.minimumf %max3A_139, %min3A_167 : vector<16xf32>
        %max3A_170 = arith.maximumf %max3A_141, %min3A_169 : vector<16xf32>
        %min3A_171 = arith.minimumf %max3A_141, %min3A_169 : vector<16xf32>
        %max3A_172 = arith.maximumf %max3A_143, %min3A_171 : vector<16xf32>
        %min3A_173 = arith.minimumf %max3A_143, %min3A_171 : vector<16xf32>
        %max3A_174 = arith.maximumf %max3A_145, %min3A_173 : vector<16xf32>
        %min3A_175 = arith.minimumf %max3A_145, %min3A_173 : vector<16xf32>
        %max3A_176 = arith.maximumf %max3A_147, %min3A_175 : vector<16xf32>
        %min3A_177 = arith.minimumf %max3A_147, %min3A_175 : vector<16xf32>
        %max3A_178 = arith.maximumf %max3A_149, %min3A_177 : vector<16xf32>
        %min3A_179 = arith.minimumf %max3A_149, %min3A_177 : vector<16xf32>
        %mul3A_180 = arith.constant 5 : i32
        %mul3A_181 = arith.muli %scan3A_114, %mul3A_180 : i32
        %add3A_182 = arith.constant 2 : i32
        %add3A_183 = arith.addi %mul3A_181, %add3A_182 : i32
        %mul3A_184 = arith.constant 16 : i32
        %mul3A_185 = arith.muli %add3A_183, %mul3A_184 : i32
        %get3A_186 = arith.index_cast %mul3A_185 : i32 to index
        %get3A_187 = tpu.vector_load %arg4[%get3A_186] {strides = array<i32>} : memref<8400xf32, #tpu.memory_space<vmem>>, vector<16xf32>,
        %get3A_188 = vector.shape_cast %get3A_187 : vector<16xf32> to vector<16xf32>
        %max3A_189 = arith.maximumf %max3A_160, %get3A_188 : vector<16xf32>
        %min3A_190 = arith.minimumf %max3A_160, %get3A_188 : vector<16xf32>
        %max3A_191 = arith.maximumf %max3A_162, %min3A_190 : vector<16xf32>
        %min3A_192 = arith.minimumf %max3A_162, %min3A_190 : vector<16xf32>
        %max3A_193 = arith.maximumf %max3A_164, %min3A_192 : vector<16xf32>
        %min3A_194 = arith.minimumf %max3A_164, %min3A_192 : vector<16xf32>
        %max3A_195 = arith.maximumf %max3A_166, %min3A_194 : vector<16xf32>
        %min3A_196 = arith.minimumf %max3A_166, %min3A_194 : vector<16xf32>
        %max3A_197 = arith.maximumf %max3A_168, %min3A_196 : vector<16xf32>
        %min3A_198 = arith.minimumf %max3A_168, %min3A_196 : vector<16xf32>
        %max3A_199 = arith.maximumf %max3A_170, %min3A_198 : vector<16xf32>
        %min3A_200 = arith.minimumf %max3A_170, %min3A_198 : vector<16xf32>
        %max3A_201 = arith.maximumf %max3A_172, %min3A_200 : vector<16xf32>
        %min3A_202 = arith.minimumf %max3A_172, %min3A_200 : vector<16xf32>
        %max3A_203 = arith.maximumf %max3A_174, %min3A_202 : vector<16xf32>
        %min3A_204 = arith.minimumf %max3A_174, %min3A_202 : vector<16xf32>
        %max3A_205 = arith.maximumf %max3A_176, %min3A_204 : vector<16xf32>
        %min3A_206 = arith.minimumf %max3A_176, %min3A_204 : vector<16xf32>
        %max3A_207 = arith.maximumf %max3A_178, %min3A_206 : vector<16xf32>
        %min3A_208 = arith.minimumf %max3A_178, %min3A_206 : vector<16xf32>
        %mul3A_209 = arith.constant 5 : i32
        %mul3A_210 = arith.muli %scan3A_114, %mul3A_209 : i32
        %add3A_211 = arith.constant 3 : i32
        %add3A_212 = arith.addi %mul3A_210, %add3A_211 : i32
        %mul3A_213 = arith.constant 16 : i32
        %mul3A_214 = arith.muli %add3A_212, %mul3A_213 : i32
        %get3A_215 = arith.index_cast %mul3A_214 : i32 to index
        %get3A_216 = tpu.vector_load %arg4[%get3A_215] {strides = array<i32>} : memref<8400xf32, #tpu.memory_space<vmem>>, vector<16xf32>,
        %get3A_217 = vector.shape_cast %get3A_216 : vector<16xf32> to vector<16xf32>
        %max3A_218 = arith.maximumf %max3A_189, %get3A_217 : vector<16xf32>
        %min3A_219 = arith.minimumf %max3A_189, %get3A_217 : vector<16xf32>
        %max3A_220 = arith.maximumf %max3A_191, %min3A_219 : vector<16xf32>
        %min3A_221 = arith.minimumf %max3A_191, %min3A_219 : vector<16xf32>
        %max3A_222 = arith.maximumf %max3A_193, %min3A_221 : vector<16xf32>
        %min3A_223 = arith.minimumf %max3A_193, %min3A_221 : vector<16xf32>
        %max3A_224 = arith.maximumf %max3A_195, %min3A_223 : vector<16xf32>
        %min3A_225 = arith.minimumf %max3A_195, %min3A_223 : vector<16xf32>
        %max3A_226 = arith.maximumf %max3A_197, %min3A_225 : vector<16xf32>
        %min3A_227 = arith.minimumf %max3A_197, %min3A_225 : vector<16xf32>
        %max3A_228 = arith.maximumf %max3A_199, %min3A_227 : vector<16xf32>
        %min3A_229 = arith.minimumf %max3A_199, %min3A_227 : vector<16xf32>
        %max3A_230 = arith.maximumf %max3A_201, %min3A_229 : vector<16xf32>
        %min3A_231 = arith.minimumf %max3A_201, %min3A_229 : vector<16xf32>
        %max3A_232 = arith.maximumf %max3A_203, %min3A_231 : vector<16xf32>
        %min3A_233 = arith.minimumf %max3A_203, %min3A_231 : vector<16xf32>
        %max3A_234 = arith.maximumf %max3A_205, %min3A_233 : vector<16xf32>
        %min3A_235 = arith.minimumf %max3A_205, %min3A_233 : vector<16xf32>
        %max3A_236 = arith.maximumf %max3A_207, %min3A_235 : vector<16xf32>
        %min3A_237 = arith.minimumf %max3A_207, %min3A_235 : vector<16xf32>
        %mul3A_238 = arith.constant 5 : i32
        %mul3A_239 = arith.muli %scan3A_114, %mul3A_238 : i32
        %add3A_240 = arith.constant 4 : i32
        %add3A_241 = arith.addi %mul3A_239, %add3A_240 : i32
        %mul3A_242 = arith.constant 16 : i32
        %mul3A_243 = arith.muli %add3A_241, %mul3A_242 : i32
        %get3A_244 = arith.index_cast %mul3A_243 : i32 to index
        %get3A_245 = tpu.vector_load %arg4[%get3A_244] {strides = array<i32>} : memref<8400xf32, #tpu.memory_space<vmem>>, vector<16xf32>,
        %get3A_246 = vector.shape_cast %get3A_245 : vector<16xf32> to vector<16xf32>
        %max3A_247 = arith.maximumf %max3A_218, %get3A_246 : vector<16xf32>
        %min3A_248 = arith.minimumf %max3A_218, %get3A_246 : vector<16xf32>
        %max3A_249 = arith.maximumf %max3A_220, %min3A_248 : vector<16xf32>
        %min3A_250 = arith.minimumf %max3A_220, %min3A_248 : vector<16xf32>
        %max3A_251 = arith.maximumf %max3A_222, %min3A_250 : vector<16xf32>
        %min3A_252 = arith.minimumf %max3A_222, %min3A_250 : vector<16xf32>
        %max3A_253 = arith.maximumf %max3A_224, %min3A_252 : vector<16xf32>
        %min3A_254 = arith.minimumf %max3A_224, %min3A_252 : vector<16xf32>
        %max3A_255 = arith.maximumf %max3A_226, %min3A_254 : vector<16xf32>
        %min3A_256 = arith.minimumf %max3A_226, %min3A_254 : vector<16xf32>
        %max3A_257 = arith.maximumf %max3A_228, %min3A_256 : vector<16xf32>
        %min3A_258 = arith.minimumf %max3A_228, %min3A_256 : vector<16xf32>
        %max3A_259 = arith.maximumf %max3A_230, %min3A_258 : vector<16xf32>
        %min3A_260 = arith.minimumf %max3A_230, %min3A_258 : vector<16xf32>
        %max3A_261 = arith.maximumf %max3A_232, %min3A_260 : vector<16xf32>
        %min3A_262 = arith.minimumf %max3A_232, %min3A_260 : vector<16xf32>
        %max3A_263 = arith.maximumf %max3A_234, %min3A_262 : vector<16xf32>
        %min3A_264 = arith.minimumf %max3A_234, %min3A_262 : vector<16xf32>
        %max3A_265 = arith.maximumf %max3A_236, %min3A_264 : vector<16xf32>
        %min3A_266 = arith.minimumf %max3A_236, %min3A_264 : vector<16xf32>
        scf.yield %max3A_247, %max3A_249, %max3A_251, %max3A_253, %max3A_255, %max3A_257, %max3A_259, %max3A_261, %max3A_263, %max3A_265 : vector<16xf32>, vector<16xf32>, vector<16xf32>, vector<16xf32>, vector<16xf32>, vector<16xf32>, vector<16xf32>, vector<16xf32>, vector<16xf32>, vector<16xf32>
      }
      %scan3A_34 = arith.constant 105 : i32
      %mul3A_35 = arith.constant 160 : i32
      %mul3A_36 = arith.muli %scan3A_6, %mul3A_35 : i32
      %add3A_37 = arith.constant 0 : i32
      %add3A_38 = arith.addi %mul3A_36, %add3A_37 : i32
      %swap3A = arith.index_cast %add3A_38 : i32 to index
      %swap3A_39 = tpu.vector_load %arg5[%swap3A] {strides = array<i32>} : memref<2560xf32, #tpu.memory_space<vmem>>, vector<16xf32>,
      %swap3A_40 = vector.shape_cast %swap3A_39 : vector<16xf32> to vector<16xf32>
      %swap3A_41 = vector.shape_cast %scan3A_33#0 : vector<16xf32> to vector<16xf32>
      tpu.vector_store %arg5[%swap3A], %swap3A_41 {strides = array<i32>} : memref<2560xf32, #tpu.memory_space<vmem>>, vector<16xf32>,
      %mul3A_42 = arith.constant 160 : i32
      %mul3A_43 = arith.muli %scan3A_6, %mul3A_42 : i32
      %add3A_44 = arith.constant 16 : i32
      %add3A_45 = arith.addi %mul3A_43, %add3A_44 : i32
      %swap3A_46 = arith.index_cast %add3A_45 : i32 to index
      %swap3A_47 = tpu.vector_load %arg5[%swap3A_46] {strides = array<i32>} : memref<2560xf32, #tpu.memory_space<vmem>>, vector<16xf32>,
      %swap3A_48 = vector.shape_cast %swap3A_47 : vector<16xf32> to vector<16xf32>
      %swap3A_49 = vector.shape_cast %scan3A_33#1 : vector<16xf32> to vector<16xf32>
      tpu.vector_store %arg5[%swap3A_46], %swap3A_49 {strides = array<i32>} : memref<2560xf32, #tpu.memory_space<vmem>>, vector<16xf32>,
      %mul3A_50 = arith.constant 160 : i32
      %mul3A_51 = arith.muli %scan3A_6, %mul3A_50 : i32
      %add3A_52 = arith.constant 32 : i32
      %add3A_53 = arith.addi %mul3A_51, %add3A_52 : i32
      %swap3A_54 = arith.index_cast %add3A_53 : i32 to index
      %swap3A_55 = tpu.vector_load %arg5[%swap3A_54] {strides = array<i32>} : memref<2560xf32, #tpu.memory_space<vmem>>, vector<16xf32>,
      %swap3A_56 = vector.shape_cast %swap3A_55 : vector<16xf32> to vector<16xf32>
      %swap3A_57 = vector.shape_cast %scan3A_33#2 : vector<16xf32> to vector<16xf32>
      tpu.vector_store %arg5[%swap3A_54], %swap3A_57 {strides = array<i32>} : memref<2560xf32, #tpu.memory_space<vmem>>, vector<16xf32>,
      %mul3A_58 = arith.constant 160 : i32
      %mul3A_59 = arith.muli %scan3A_6, %mul3A_58 : i32
      %add3A_60 = arith.constant 48 : i32
      %add3A_61 = arith.addi %mul3A_59, %add3A_60 : i32
      %swap3A_62 = arith.index_cast %add3A_61 : i32 to index
      %swap3A_63 = tpu.vector_load %arg5[%swap3A_62] {strides = array<i32>} : memref<2560xf32, #tpu.memory_space<vmem>>, vector<16xf32>,
      %swap3A_64 = vector.shape_cast %swap3A_63 : vector<16xf32> to vector<16xf32>
      %swap3A_65 = vector.shape_cast %scan3A_33#3 : vector<16xf32> to vector<16xf32>
      tpu.vector_store %arg5[%swap3A_62], %swap3A_65 {strides = array<i32>} : memref<2560xf32, #tpu.memory_space<vmem>>, vector<16xf32>,
      %mul3A_66 = arith.constant 160 : i32
      %mul3A_67 = arith.muli %scan3A_6, %mul3A_66 : i32
      %add3A_68 = arith.constant 64 : i32
      %add3A_69 = arith.addi %mul3A_67, %add3A_68 : i32
      %swap3A_70 = arith.index_cast %add3A_69 : i32 to index
      %swap3A_71 = tpu.vector_load %arg5[%swap3A_70] {strides = array<i32>} : memref<2560xf32, #tpu.memory_space<vmem>>, vector<16xf32>,
      %swap3A_72 = vector.shape_cast %swap3A_71 : vector<16xf32> to vector<16xf32>
      %swap3A_73 = vector.shape_cast %scan3A_33#4 : vector<16xf32> to vector<16xf32>
      tpu.vector_store %arg5[%swap3A_70], %swap3A_73 {strides = array<i32>} : memref<2560xf32, #tpu.memory_space<vmem>>, vector<16xf32>,
      %mul3A_74 = arith.constant 160 : i32
      %mul3A_75 = arith.muli %scan3A_6, %mul3A_74 : i32
      %add3A_76 = arith.constant 80 : i32
      %add3A_77 = arith.addi %mul3A_75, %add3A_76 : i32
      %swap3A_78 = arith.index_cast %add3A_77 : i32 to index
      %swap3A_79 = tpu.vector_load %arg5[%swap3A_78] {strides = array<i32>} : memref<2560xf32, #tpu.memory_space<vmem>>, vector<16xf32>,
      %swap3A_80 = vector.shape_cast %swap3A_79 : vector<16xf32> to vector<16xf32>
      %swap3A_81 = vector.shape_cast %scan3A_33#5 : vector<16xf32> to vector<16xf32>
      tpu.vector_store %arg5[%swap3A_78], %swap3A_81 {strides = array<i32>} : memref<2560xf32, #tpu.memory_space<vmem>>, vector<16xf32>,
      %mul3A_82 = arith.constant 160 : i32
      %mul3A_83 = arith.muli %scan3A_6, %mul3A_82 : i32
      %add3A_84 = arith.constant 96 : i32
      %add3A_85 = arith.addi %mul3A_83, %add3A_84 : i32
      %swap3A_86 = arith.index_cast %add3A_85 : i32 to index
      %swap3A_87 = tpu.vector_load %arg5[%swap3A_86] {strides = array<i32>} : memref<2560xf32, #tpu.memory_space<vmem>>, vector<16xf32>,
      %swap3A_88 = vector.shape_cast %swap3A_87 : vector<16xf32> to vector<16xf32>
      %swap3A_89 = vector.shape_cast %scan3A_33#6 : vector<16xf32> to vector<16xf32>
      tpu.vector_store %arg5[%swap3A_86], %swap3A_89 {strides = array<i32>} : memref<2560xf32, #tpu.memory_space<vmem>>, vector<16xf32>,
      %mul3A_90 = arith.constant 160 : i32
      %mul3A_91 = arith.muli %scan3A_6, %mul3A_90 : i32
      %add3A_92 = arith.constant 112 : i32
      %add3A_93 = arith.addi %mul3A_91, %add3A_92 : i32
      %swap3A_94 = arith.index_cast %add3A_93 : i32 to index
      %swap3A_95 = tpu.vector_load %arg5[%swap3A_94] {strides = array<i32>} : memref<2560xf32, #tpu.memory_space<vmem>>, vector<16xf32>,
      %swap3A_96 = vector.shape_cast %swap3A_95 : vector<16xf32> to vector<16xf32>
      %swap3A_97 = vector.shape_cast %scan3A_33#7 : vector<16xf32> to vector<16xf32>
      tpu.vector_store %arg5[%swap3A_94], %swap3A_97 {strides = array<i32>} : memref<2560xf32, #tpu.memory_space<vmem>>, vector<16xf32>,
      %mul3A_98 = arith.constant 160 : i32
      %mul3A_99 = arith.muli %scan3A_6, %mul3A_98 : i32
      %add3A_100 = arith.constant 128 : i32
      %add3A_101 = arith.addi %mul3A_99, %add3A_100 : i32
      %swap3A_102 = arith.index_cast %add3A_101 : i32 to index
      %swap3A_103 = tpu.vector_load %arg5[%swap3A_102] {strides = array<i32>} : memref<2560xf32, #tpu.memory_space<vmem>>, vector<16xf32>,
      %swap3A_104 = vector.shape_cast %swap3A_103 : vector<16xf32> to vector<16xf32>
      %swap3A_105 = vector.shape_cast %scan3A_33#8 : vector<16xf32> to vector<16xf32>
      tpu.vector_store %arg5[%swap3A_102], %swap3A_105 {strides = array<i32>} : memref<2560xf32, #tpu.memory_space<vmem>>, vector<16xf32>,
      %mul3A_106 = arith.constant 160 : i32
      %mul3A_107 = arith.muli %scan3A_6, %mul3A_106 : i32
      %add3A_108 = arith.constant 144 : i32
      %add3A_109 = arith.addi %mul3A_107, %add3A_108 : i32
      %swap3A_110 = arith.index_cast %add3A_109 : i32 to index
      %swap3A_111 = tpu.vector_load %arg5[%swap3A_110] {strides = array<i32>} : memref<2560xf32, #tpu.memory_space<vmem>>, vector<16xf32>,
      %swap3A_112 = vector.shape_cast %swap3A_111 : vector<16xf32> to vector<16xf32>
      %swap3A_113 = vector.shape_cast %scan3A_33#9 : vector<16xf32> to vector<16xf32>
      tpu.vector_store %arg5[%swap3A_110], %swap3A_113 {strides = array<i32>} : memref<2560xf32, #tpu.memory_space<vmem>>, vector<16xf32>,
    }
    %scan3A_5 = arith.constant 16 : i32
    "tpu.region"() ({
      %run_scoped3A = tpu.sem_alloc : memref<!tpu.dma_semaphore, #tpu.memory_space<semaphore_mem>>
      %dma_start3A = arith.constant 0 : i32
      %dma_start3A_6 = tpu.memref_slice %arg3[%add3A, %dma_start3A] : memref<32x2560xf32, #tpu.memory_space<hbm>> -> memref<1x2560xf32, #tpu.memory_space<hbm>>
      %dma_start3A_7 = tpu.memref_squeeze %dma_start3A_6 : memref<1x2560xf32, #tpu.memory_space<hbm>> -> memref<2560xf32, #tpu.memory_space<hbm>>
      %dma_start3A_8 = arith.constant 0 : i32
      %dma_start3A_9 = tpu.memref_slice %arg3[%add3A, %dma_start3A_8] : memref<32x2560xf32, #tpu.memory_space<hbm>> -> memref<1x2560xf32, #tpu.memory_space<hbm>>
      %dma_start3A_10 = tpu.memref_squeeze %dma_start3A_9 : memref<1x2560xf32, #tpu.memory_space<hbm>> -> memref<2560xf32, #tpu.memory_space<hbm>>
      tpu.enqueue_dma source(%arg5 : memref<2560xf32, #tpu.memory_space<vmem>>) target(%dma_start3A_10 : memref<2560xf32, #tpu.memory_space<hbm>>) target_semaphore(%run_scoped3A : memref<!tpu.dma_semaphore, #tpu.memory_space<semaphore_mem>>)
      %dma_wait3A = arith.constant 0 : i32
      %dma_wait3A_11 = tpu.memref_slice %arg3[%add3A, %dma_wait3A] : memref<32x2560xf32, #tpu.memory_space<hbm>> -> memref<1x2560xf32, #tpu.memory_space<hbm>>
      %dma_wait3A_12 = tpu.memref_squeeze %dma_wait3A_11 : memref<1x2560xf32, #tpu.memory_space<hbm>> -> memref<2560xf32, #tpu.memory_space<hbm>>
      %dma_wait3A_13 = arith.constant 0 : i32
      %dma_wait3A_14 = tpu.memref_slice %arg3[%add3A, %dma_wait3A_13] : memref<32x2560xf32, #tpu.memory_space<hbm>> -> memref<1x2560xf32, #tpu.memory_space<hbm>>
      %dma_wait3A_15 = tpu.memref_squeeze %dma_wait3A_14 : memref<1x2560xf32, #tpu.memory_space<hbm>> -> memref<2560xf32, #tpu.memory_space<hbm>>
      tpu.wait_dma2 semaphore(%run_scoped3A : memref<!tpu.dma_semaphore, #tpu.memory_space<semaphore_mem>>) src(%arg5 : memref<2560xf32, #tpu.memory_space<vmem>>) dst(%dma_wait3A_15 : memref<2560xf32, #tpu.memory_space<hbm>>)
      tpu.yield
    }) : () -> ()
    return
  }
}

module attributes {stable_mosaic.version = 14 : i64} {
  func.func @_dense_kernel(%arg0: i32, %arg1: memref<1x80x8400xf32, #tpu.memory_space<vmem>>, %arg2: memref<1x4x8400xf32, #tpu.memory_space<vmem>>, %arg3: memref<2x8400xf32, #tpu.memory_space<vmem>>, %arg4: memref<1x64x1xi32, #tpu.memory_space<vmem>>, %arg5: memref<1x64x4xf32, #tpu.memory_space<vmem>>, %arg6: memref<1x64x1xf32, #tpu.memory_space<vmem>>, %arg7: memref<1x64x8400xf32, #tpu.memory_space<vmem>>, %arg8: memref<1x64x8400xf32, #tpu.memory_space<vmem>>) attributes {dimension_semantics = [#tpu.dimension_semantics<arbitrary>], iteration_bounds = array<i64: 8>, scalar_prefetch = 0 : i64, scratch_operands = 0 : i64, tpu.core_type = #tpu.core_type<tc>, window_params = [{transform_indices = @transform_0, window_bounds = array<i64: 1, 80, 8400>}, {transform_indices = @transform_1, window_bounds = array<i64: 1, 4, 8400>}, {pipeline_mode = #tpu.pipeline_mode<synchronous>, transform_indices = @transform_2, window_bounds = array<i64: 2, 8400>}, {transform_indices = @transform_3, window_bounds = array<i64: 1, 64, 1>}, {transform_indices = @transform_4, window_bounds = array<i64: 1, 64, 4>}, {transform_indices = @transform_5, window_bounds = array<i64: 1, 64, 1>}, {transform_indices = @transform_6, window_bounds = array<i64: 1, 64, 8400>}, {transform_indices = @transform_7, window_bounds = array<i64: 1, 64, 8400>}]} {
    %get3A = arith.constant 0 : index
    %get3A_0 = arith.constant 0 : index
    %get3A_1 = arith.constant 0 : index
    %get3A_2 = vector.load %arg1[%get3A, %get3A_0, %get3A_1] : memref<1x80x8400xf32, #tpu.memory_space<vmem>>, vector<1x80x8400xf32>
    %get3A_3 = vector.shape_cast %get3A_2 : vector<1x80x8400xf32> to vector<80x8400xf32>
    %get3A_4 = arith.constant 0 : index
    %get3A_5 = arith.constant 0 : index
    %get3A_6 = arith.constant 0 : index
    %get3A_7 = vector.load %arg2[%get3A_4, %get3A_5, %get3A_6] : memref<1x4x8400xf32, #tpu.memory_space<vmem>>, vector<1x4x8400xf32>
    %get3A_8 = vector.shape_cast %get3A_7 : vector<1x4x8400xf32> to vector<4x8400xf32>
    %get3A_9 = arith.constant 0 : index
    %get3A_10 = arith.constant 0 : index
    %get3A_11 = vector.load %arg3[%get3A_9, %get3A_10] : memref<2x8400xf32, #tpu.memory_space<vmem>>, vector<2x8400xf32>
    %get3A_12 = arith.constant 0 : index
    %get3A_13 = arith.constant 0 : index
    %get3A_14 = arith.constant 0 : index
    %get3A_15 = vector.load %arg5[%get3A_12, %get3A_13, %get3A_14] : memref<1x64x4xf32, #tpu.memory_space<vmem>>, vector<1x64x4xf32>
    %get3A_16 = vector.shape_cast %get3A_15 : vector<1x64x4xf32> to vector<64x4xf32>
    %get3A_17 = arith.constant 0 : index
    %get3A_18 = arith.constant 0 : index
    %get3A_19 = arith.constant 0 : index
    %get3A_20 = vector.load %arg4[%get3A_17, %get3A_18, %get3A_19] : memref<1x64x1xi32, #tpu.memory_space<vmem>>, vector<1x64x1xi32>
    %get3A_21 = vector.shape_cast %get3A_20 : vector<1x64x1xi32> to vector<64x1xi32>
    %get3A_22 = arith.constant 0 : index
    %get3A_23 = arith.constant 0 : index
    %get3A_24 = arith.constant 0 : index
    %get3A_25 = vector.load %arg6[%get3A_22, %get3A_23, %get3A_24] : memref<1x64x1xf32, #tpu.memory_space<vmem>>, vector<1x64x1xf32>
    %get3A_26 = vector.shape_cast %get3A_25 : vector<1x64x1xf32> to vector<64x1xf32>
    %slice3A = vector.extract_strided_slice %get3A_8 {offsets = [0, 0], sizes = [1, 8400], strides = [1, 1]} : vector<4x8400xf32> to vector<1x8400xf32>
    %slice3A_27 = vector.extract_strided_slice %get3A_8 {offsets = [1, 0], sizes = [1, 8400], strides = [1, 1]} : vector<4x8400xf32> to vector<1x8400xf32>
    %slice3A_28 = vector.extract_strided_slice %get3A_8 {offsets = [2, 0], sizes = [1, 8400], strides = [1, 1]} : vector<4x8400xf32> to vector<1x8400xf32>
    %slice3A_29 = vector.extract_strided_slice %get3A_8 {offsets = [3, 0], sizes = [1, 8400], strides = [1, 1]} : vector<4x8400xf32> to vector<1x8400xf32>
    %slice3A_30 = vector.extract_strided_slice %get3A_11 {offsets = [0, 0], sizes = [1, 8400], strides = [1, 1]} : vector<2x8400xf32> to vector<1x8400xf32>
    %slice3A_31 = vector.extract_strided_slice %get3A_11 {offsets = [1, 0], sizes = [1, 8400], strides = [1, 1]} : vector<2x8400xf32> to vector<1x8400xf32>
    %slice3A_32 = vector.extract_strided_slice %get3A_16 {offsets = [0, 0], sizes = [64, 1], strides = [1, 1]} : vector<64x4xf32> to vector<64x1xf32>
    %slice3A_33 = vector.extract_strided_slice %get3A_16 {offsets = [0, 1], sizes = [64, 1], strides = [1, 1]} : vector<64x4xf32> to vector<64x1xf32>
    %slice3A_34 = vector.extract_strided_slice %get3A_16 {offsets = [0, 2], sizes = [64, 1], strides = [1, 1]} : vector<64x4xf32> to vector<64x1xf32>
    %slice3A_35 = vector.extract_strided_slice %get3A_16 {offsets = [0, 3], sizes = [64, 1], strides = [1, 1]} : vector<64x4xf32> to vector<64x1xf32>
    %max3A = arith.constant 0 : i32
    %max3A_36 = vector.broadcast %max3A : i32 to vector<64x1xi32>
    %max3A_37 = arith.maxsi %get3A_21, %max3A_36 : vector<64x1xi32>
    %gt3A = arith.constant 0.000000e+00 : f32
    %gt3A_38 = vector.broadcast %gt3A : f32 to vector<64x1xf32>
    %gt3A_39 = arith.cmpf ogt, %get3A_26, %gt3A_38 : vector<64x1xf32>
    %iota3A = tpu.iota {dimensions = array<i32: 1>} : vector<64x80xi32>
    %eq3A = vector.broadcast %max3A_37 : vector<64x1xi32> to vector<64x80xi32>
    %eq3A_40 = arith.cmpi eq, %iota3A, %eq3A : vector<64x80xi32>
    %convert_element_type3A = arith.extui %eq3A_40 : vector<64x80xi1> to vector<64x80xi32>
    %convert_element_type3A_41 = arith.sitofp %convert_element_type3A : vector<64x80xi32> to vector<64x80xf32>
    %jit3A = arith.constant 0.000000e+00 : f32
    %broadcast_in_dim3A = vector.shape_cast %gt3A_39 : vector<64x1xi1> to vector<64x1xi1>
    %broadcast_in_dim3A_42 = vector.broadcast %broadcast_in_dim3A : vector<64x1xi1> to vector<64x80xi1>
    %broadcast_in_dim3A_43 = vector.broadcast %jit3A : f32 to vector<64x80xf32>
    %select_n3A = arith.select %broadcast_in_dim3A_42, %convert_element_type3A_41, %broadcast_in_dim3A_43 : vector<64x80xi1>, vector<64x80xf32>
    %dot_general3A = arith.constant dense<0.000000e+00> : vector<64x8400xf32>
    %dot_general3A_44 = tpu.matmul %select_n3A, %get3A_3, %dot_general3A {dimension_numbers = #tpu.dot_dimension_numbers<[1], [0], [0], [1], [0, 0, 1, 1], [], []>, precision = #tpu.contract_precision<fp32>, transpose_lhs_hint = false} : vector<64x80xf32>, vector<80x8400xf32>, vector<64x8400xf32> -> vector<64x8400xf32>
    %max3A_45 = vector.broadcast %slice3A_32 : vector<64x1xf32> to vector<64x8400xf32>
    %max3A_46 = vector.broadcast %slice3A : vector<1x8400xf32> to vector<64x8400xf32>
    %max3A_47 = arith.maximumf %max3A_45, %max3A_46 : vector<64x8400xf32>
    %max3A_48 = vector.broadcast %slice3A_33 : vector<64x1xf32> to vector<64x8400xf32>
    %max3A_49 = vector.broadcast %slice3A_27 : vector<1x8400xf32> to vector<64x8400xf32>
    %max3A_50 = arith.maximumf %max3A_48, %max3A_49 : vector<64x8400xf32>
    %min3A = vector.broadcast %slice3A_34 : vector<64x1xf32> to vector<64x8400xf32>
    %min3A_51 = vector.broadcast %slice3A_28 : vector<1x8400xf32> to vector<64x8400xf32>
    %min3A_52 = arith.minimumf %min3A, %min3A_51 : vector<64x8400xf32>
    %min3A_53 = vector.broadcast %slice3A_35 : vector<64x1xf32> to vector<64x8400xf32>
    %min3A_54 = vector.broadcast %slice3A_29 : vector<1x8400xf32> to vector<64x8400xf32>
    %min3A_55 = arith.minimumf %min3A_53, %min3A_54 : vector<64x8400xf32>
    %sub3A = arith.subf %min3A_52, %max3A_47 : vector<64x8400xf32>
    %max3A_56 = arith.constant 0.000000e+00 : f32
    %max3A_57 = vector.broadcast %max3A_56 : f32 to vector<64x8400xf32>
    %max3A_58 = arith.maximumf %sub3A, %max3A_57 : vector<64x8400xf32>
    %sub3A_59 = arith.subf %min3A_55, %max3A_50 : vector<64x8400xf32>
    %max3A_60 = arith.constant 0.000000e+00 : f32
    %max3A_61 = vector.broadcast %max3A_60 : f32 to vector<64x8400xf32>
    %max3A_62 = arith.maximumf %sub3A_59, %max3A_61 : vector<64x8400xf32>
    %mul3A = arith.mulf %max3A_58, %max3A_62 : vector<64x8400xf32>
    %sub3A_63 = arith.subf %slice3A_34, %slice3A_32 : vector<64x1xf32>
    %sub3A_64 = arith.subf %slice3A_35, %slice3A_33 : vector<64x1xf32>
    %sub3A_65 = arith.subf %slice3A_28, %slice3A : vector<1x8400xf32>
    %sub3A_66 = arith.subf %slice3A_29, %slice3A_27 : vector<1x8400xf32>
    %mul3A_67 = arith.mulf %sub3A_63, %sub3A_64 : vector<64x1xf32>
    %mul3A_68 = arith.mulf %sub3A_65, %sub3A_66 : vector<1x8400xf32>
    %add3A = vector.broadcast %mul3A_67 : vector<64x1xf32> to vector<64x8400xf32>
    %add3A_69 = vector.broadcast %mul3A_68 : vector<1x8400xf32> to vector<64x8400xf32>
    %add3A_70 = arith.addf %add3A, %add3A_69 : vector<64x8400xf32>
    %sub3A_71 = arith.subf %add3A_70, %mul3A : vector<64x8400xf32>
    %add3A_72 = arith.constant 9.99999971E-10 : f32
    %add3A_73 = vector.broadcast %add3A_72 : f32 to vector<64x8400xf32>
    %add3A_74 = arith.addf %sub3A_71, %add3A_73 : vector<64x8400xf32>
    %div3A = arith.divf %mul3A, %add3A_74 : vector<64x8400xf32>
    %max3A_75 = vector.broadcast %slice3A_34 : vector<64x1xf32> to vector<64x8400xf32>
    %max3A_76 = vector.broadcast %slice3A_28 : vector<1x8400xf32> to vector<64x8400xf32>
    %max3A_77 = arith.maximumf %max3A_75, %max3A_76 : vector<64x8400xf32>
    %min3A_78 = vector.broadcast %slice3A_32 : vector<64x1xf32> to vector<64x8400xf32>
    %min3A_79 = vector.broadcast %slice3A : vector<1x8400xf32> to vector<64x8400xf32>
    %min3A_80 = arith.minimumf %min3A_78, %min3A_79 : vector<64x8400xf32>
    %sub3A_81 = arith.subf %max3A_77, %min3A_80 : vector<64x8400xf32>
    %max3A_82 = vector.broadcast %slice3A_35 : vector<64x1xf32> to vector<64x8400xf32>
    %max3A_83 = vector.broadcast %slice3A_29 : vector<1x8400xf32> to vector<64x8400xf32>
    %max3A_84 = arith.maximumf %max3A_82, %max3A_83 : vector<64x8400xf32>
    %min3A_85 = vector.broadcast %slice3A_33 : vector<64x1xf32> to vector<64x8400xf32>
    %min3A_86 = vector.broadcast %slice3A_27 : vector<1x8400xf32> to vector<64x8400xf32>
    %min3A_87 = arith.minimumf %min3A_85, %min3A_86 : vector<64x8400xf32>
    %sub3A_88 = arith.subf %max3A_84, %min3A_87 : vector<64x8400xf32>
    %mul3A_89 = arith.mulf %sub3A_81, %sub3A_81 : vector<64x8400xf32>
    %mul3A_90 = arith.mulf %sub3A_88, %sub3A_88 : vector<64x8400xf32>
    %add3A_91 = arith.addf %mul3A_89, %mul3A_90 : vector<64x8400xf32>
    %add3A_92 = arith.constant 9.99999971E-10 : f32
    %add3A_93 = vector.broadcast %add3A_92 : f32 to vector<64x8400xf32>
    %add3A_94 = arith.addf %add3A_91, %add3A_93 : vector<64x8400xf32>
    %add3A_95 = arith.addf %slice3A, %slice3A_28 : vector<1x8400xf32>
    %sub3A_96 = vector.broadcast %add3A_95 : vector<1x8400xf32> to vector<64x8400xf32>
    %sub3A_97 = vector.broadcast %slice3A_32 : vector<64x1xf32> to vector<64x8400xf32>
    %sub3A_98 = arith.subf %sub3A_96, %sub3A_97 : vector<64x8400xf32>
    %sub3A_99 = vector.broadcast %slice3A_34 : vector<64x1xf32> to vector<64x8400xf32>
    %sub3A_100 = arith.subf %sub3A_98, %sub3A_99 : vector<64x8400xf32>
    %add3A_101 = arith.addf %slice3A_27, %slice3A_29 : vector<1x8400xf32>
    %sub3A_102 = vector.broadcast %add3A_101 : vector<1x8400xf32> to vector<64x8400xf32>
    %sub3A_103 = vector.broadcast %slice3A_33 : vector<64x1xf32> to vector<64x8400xf32>
    %sub3A_104 = arith.subf %sub3A_102, %sub3A_103 : vector<64x8400xf32>
    %sub3A_105 = vector.broadcast %slice3A_35 : vector<64x1xf32> to vector<64x8400xf32>
    %sub3A_106 = arith.subf %sub3A_104, %sub3A_105 : vector<64x8400xf32>
    %mul3A_107 = arith.mulf %sub3A_100, %sub3A_100 : vector<64x8400xf32>
    %mul3A_108 = arith.mulf %sub3A_106, %sub3A_106 : vector<64x8400xf32>
    %add3A_109 = arith.addf %mul3A_107, %mul3A_108 : vector<64x8400xf32>
    %mul3A_110 = arith.constant 2.500000e-01 : f32
    %mul3A_111 = vector.broadcast %mul3A_110 : f32 to vector<64x8400xf32>
    %mul3A_112 = arith.mulf %add3A_109, %mul3A_111 : vector<64x8400xf32>
    %add3A_113 = arith.constant 9.99999971E-10 : f32
    %add3A_114 = vector.broadcast %add3A_113 : f32 to vector<64x1xf32>
    %add3A_115 = arith.addf %sub3A_64, %add3A_114 : vector<64x1xf32>
    %div3A_116 = arith.divf %sub3A_63, %add3A_115 : vector<64x1xf32>
    %gt3A_117 = arith.constant 2.41421366 : f32
    %gt3A_118 = vector.broadcast %gt3A_117 : f32 to vector<64x1xf32>
    %gt3A_119 = arith.cmpf ogt, %div3A_116, %gt3A_118 : vector<64x1xf32>
    %gt3A_120 = arith.constant 0.414213568 : f32
    %gt3A_121 = vector.broadcast %gt3A_120 : f32 to vector<64x1xf32>
    %gt3A_122 = arith.cmpf ogt, %div3A_116, %gt3A_121 : vector<64x1xf32>
    %not3A = arith.constant dense<true> : vector<64x1xi1>
    %not3A_123 = arith.xori %gt3A_119, %not3A : vector<64x1xi1>
    %and3A = arith.andi %gt3A_122, %not3A_123 : vector<64x1xi1>
    %div3A_124 = arith.constant -1.000000e+00 : f32
    %div3A_125 = vector.broadcast %div3A_124 : f32 to vector<64x1xf32>
    %div3A_126 = arith.divf %div3A_125, %div3A_116 : vector<64x1xf32>
    %sub3A_127 = arith.constant 1.000000e+00 : f32
    %sub3A_128 = vector.broadcast %sub3A_127 : f32 to vector<64x1xf32>
    %sub3A_129 = arith.subf %div3A_116, %sub3A_128 : vector<64x1xf32>
    %add3A_130 = arith.constant 1.000000e+00 : f32
    %add3A_131 = vector.broadcast %add3A_130 : f32 to vector<64x1xf32>
    %add3A_132 = arith.addf %div3A_116, %add3A_131 : vector<64x1xf32>
    %div3A_133 = arith.divf %sub3A_129, %add3A_132 : vector<64x1xf32>
    %select_n3A_134 = arith.select %and3A, %div3A_133, %div3A_116 : vector<64x1xi1>, vector<64x1xf32>
    %select_n3A_135 = arith.select %gt3A_119, %div3A_126, %select_n3A_134 : vector<64x1xi1>, vector<64x1xf32>
    %jit3A_136 = arith.constant 0.785398185 : f32
    %jit3A_137 = arith.constant 0.000000e+00 : f32
    %broadcast_in_dim3A_138 = vector.broadcast %jit3A_136 : f32 to vector<64x1xf32>
    %broadcast_in_dim3A_139 = vector.broadcast %jit3A_137 : f32 to vector<64x1xf32>
    %select_n3A_140 = arith.select %and3A, %broadcast_in_dim3A_138, %broadcast_in_dim3A_139 : vector<64x1xi1>, vector<64x1xf32>
    %jit3A_141 = arith.constant 1.57079637 : f32
    %broadcast_in_dim3A_142 = vector.broadcast %jit3A_141 : f32 to vector<64x1xf32>
    %select_n3A_143 = arith.select %gt3A_119, %broadcast_in_dim3A_142, %select_n3A_140 : vector<64x1xi1>, vector<64x1xf32>
    %mul3A_144 = arith.mulf %select_n3A_135, %select_n3A_135 : vector<64x1xf32>
    %mul3A_145 = arith.constant 0.0805374458 : f32
    %mul3A_146 = vector.broadcast %mul3A_145 : f32 to vector<64x1xf32>
    %mul3A_147 = arith.mulf %mul3A_146, %mul3A_144 : vector<64x1xf32>
    %sub3A_148 = arith.constant 0.138776854 : f32
    %sub3A_149 = vector.broadcast %sub3A_148 : f32 to vector<64x1xf32>
    %sub3A_150 = arith.subf %mul3A_147, %sub3A_149 : vector<64x1xf32>
    %mul3A_151 = arith.mulf %sub3A_150, %mul3A_144 : vector<64x1xf32>
    %add3A_152 = arith.constant 0.199777111 : f32
    %add3A_153 = vector.broadcast %add3A_152 : f32 to vector<64x1xf32>
    %add3A_154 = arith.addf %mul3A_151, %add3A_153 : vector<64x1xf32>
    %mul3A_155 = arith.mulf %add3A_154, %mul3A_144 : vector<64x1xf32>
    %sub3A_156 = arith.constant 0.333329499 : f32
    %sub3A_157 = vector.broadcast %sub3A_156 : f32 to vector<64x1xf32>
    %sub3A_158 = arith.subf %mul3A_155, %sub3A_157 : vector<64x1xf32>
    %mul3A_159 = arith.mulf %sub3A_158, %mul3A_144 : vector<64x1xf32>
    %mul3A_160 = arith.mulf %mul3A_159, %select_n3A_135 : vector<64x1xf32>
    %add3A_161 = arith.addf %mul3A_160, %select_n3A_135 : vector<64x1xf32>
    %add3A_162 = arith.addf %select_n3A_143, %add3A_161 : vector<64x1xf32>
    %add3A_163 = arith.constant 9.99999971E-10 : f32
    %add3A_164 = vector.broadcast %add3A_163 : f32 to vector<1x8400xf32>
    %add3A_165 = arith.addf %sub3A_66, %add3A_164 : vector<1x8400xf32>
    %div3A_166 = arith.divf %sub3A_65, %add3A_165 : vector<1x8400xf32>
    %gt3A_167 = arith.constant 2.41421366 : f32
    %gt3A_168 = vector.broadcast %gt3A_167 : f32 to vector<1x8400xf32>
    %gt3A_169 = arith.cmpf ogt, %div3A_166, %gt3A_168 : vector<1x8400xf32>
    %gt3A_170 = arith.constant 0.414213568 : f32
    %gt3A_171 = vector.broadcast %gt3A_170 : f32 to vector<1x8400xf32>
    %gt3A_172 = arith.cmpf ogt, %div3A_166, %gt3A_171 : vector<1x8400xf32>
    %not3A_173 = arith.constant dense<true> : vector<1x8400xi1>
    %not3A_174 = arith.xori %gt3A_169, %not3A_173 : vector<1x8400xi1>
    %and3A_175 = arith.andi %gt3A_172, %not3A_174 : vector<1x8400xi1>
    %div3A_176 = arith.constant -1.000000e+00 : f32
    %div3A_177 = vector.broadcast %div3A_176 : f32 to vector<1x8400xf32>
    %div3A_178 = arith.divf %div3A_177, %div3A_166 : vector<1x8400xf32>
    %sub3A_179 = arith.constant 1.000000e+00 : f32
    %sub3A_180 = vector.broadcast %sub3A_179 : f32 to vector<1x8400xf32>
    %sub3A_181 = arith.subf %div3A_166, %sub3A_180 : vector<1x8400xf32>
    %add3A_182 = arith.constant 1.000000e+00 : f32
    %add3A_183 = vector.broadcast %add3A_182 : f32 to vector<1x8400xf32>
    %add3A_184 = arith.addf %div3A_166, %add3A_183 : vector<1x8400xf32>
    %div3A_185 = arith.divf %sub3A_181, %add3A_184 : vector<1x8400xf32>
    %select_n3A_186 = arith.select %and3A_175, %div3A_185, %div3A_166 : vector<1x8400xi1>, vector<1x8400xf32>
    %select_n3A_187 = arith.select %gt3A_169, %div3A_178, %select_n3A_186 : vector<1x8400xi1>, vector<1x8400xf32>
    %jit3A_188 = arith.constant 0.785398185 : f32
    %jit3A_189 = arith.constant 0.000000e+00 : f32
    %broadcast_in_dim3A_190 = vector.broadcast %jit3A_188 : f32 to vector<1x8400xf32>
    %broadcast_in_dim3A_191 = vector.broadcast %jit3A_189 : f32 to vector<1x8400xf32>
    %select_n3A_192 = arith.select %and3A_175, %broadcast_in_dim3A_190, %broadcast_in_dim3A_191 : vector<1x8400xi1>, vector<1x8400xf32>
    %jit3A_193 = arith.constant 1.57079637 : f32
    %broadcast_in_dim3A_194 = vector.broadcast %jit3A_193 : f32 to vector<1x8400xf32>
    %select_n3A_195 = arith.select %gt3A_169, %broadcast_in_dim3A_194, %select_n3A_192 : vector<1x8400xi1>, vector<1x8400xf32>
    %mul3A_196 = arith.mulf %select_n3A_187, %select_n3A_187 : vector<1x8400xf32>
    %mul3A_197 = arith.constant 0.0805374458 : f32
    %mul3A_198 = vector.broadcast %mul3A_197 : f32 to vector<1x8400xf32>
    %mul3A_199 = arith.mulf %mul3A_198, %mul3A_196 : vector<1x8400xf32>
    %sub3A_200 = arith.constant 0.138776854 : f32
    %sub3A_201 = vector.broadcast %sub3A_200 : f32 to vector<1x8400xf32>
    %sub3A_202 = arith.subf %mul3A_199, %sub3A_201 : vector<1x8400xf32>
    %mul3A_203 = arith.mulf %sub3A_202, %mul3A_196 : vector<1x8400xf32>
    %add3A_204 = arith.constant 0.199777111 : f32
    %add3A_205 = vector.broadcast %add3A_204 : f32 to vector<1x8400xf32>
    %add3A_206 = arith.addf %mul3A_203, %add3A_205 : vector<1x8400xf32>
    %mul3A_207 = arith.mulf %add3A_206, %mul3A_196 : vector<1x8400xf32>
    %sub3A_208 = arith.constant 0.333329499 : f32
    %sub3A_209 = vector.broadcast %sub3A_208 : f32 to vector<1x8400xf32>
    %sub3A_210 = arith.subf %mul3A_207, %sub3A_209 : vector<1x8400xf32>
    %mul3A_211 = arith.mulf %sub3A_210, %mul3A_196 : vector<1x8400xf32>
    %mul3A_212 = arith.mulf %mul3A_211, %select_n3A_187 : vector<1x8400xf32>
    %add3A_213 = arith.addf %mul3A_212, %select_n3A_187 : vector<1x8400xf32>
    %add3A_214 = arith.addf %select_n3A_195, %add3A_213 : vector<1x8400xf32>
    %sub3A_215 = vector.broadcast %add3A_214 : vector<1x8400xf32> to vector<64x8400xf32>
    %sub3A_216 = vector.broadcast %add3A_162 : vector<64x1xf32> to vector<64x8400xf32>
    %sub3A_217 = arith.subf %sub3A_215, %sub3A_216 : vector<64x8400xf32>
    %mul3A_218 = arith.mulf %sub3A_217, %sub3A_217 : vector<64x8400xf32>
    %mul3A_219 = arith.constant 0.405284733 : f32
    %mul3A_220 = vector.broadcast %mul3A_219 : f32 to vector<64x8400xf32>
    %mul3A_221 = arith.mulf %mul3A_220, %mul3A_218 : vector<64x8400xf32>
    %sub3A_222 = arith.subf %mul3A_221, %div3A : vector<64x8400xf32>
    %add3A_223 = arith.constant 1.000000e+00 : f32
    %add3A_224 = vector.broadcast %add3A_223 : f32 to vector<64x8400xf32>
    %add3A_225 = arith.addf %sub3A_222, %add3A_224 : vector<64x8400xf32>
    %add3A_226 = arith.constant 9.99999971E-10 : f32
    %add3A_227 = vector.broadcast %add3A_226 : f32 to vector<64x8400xf32>
    %add3A_228 = arith.addf %add3A_225, %add3A_227 : vector<64x8400xf32>
    %div3A_229 = arith.divf %mul3A_221, %add3A_228 : vector<64x8400xf32>
    %div3A_230 = arith.divf %mul3A_112, %add3A_94 : vector<64x8400xf32>
    %mul3A_231 = arith.mulf %mul3A_221, %div3A_229 : vector<64x8400xf32>
    %add3A_232 = arith.addf %div3A_230, %mul3A_231 : vector<64x8400xf32>
    %sub3A_233 = arith.subf %div3A, %add3A_232 : vector<64x8400xf32>
    %mul3A_234 = arith.mulf %sub3A_233, %sub3A_233 : vector<64x8400xf32>
    %mul3A_235 = arith.mulf %mul3A_234, %mul3A_234 : vector<64x8400xf32>
    %mul3A_236 = arith.mulf %mul3A_235, %mul3A_234 : vector<64x8400xf32>
    %lt3A = vector.broadcast %slice3A_32 : vector<64x1xf32> to vector<64x8400xf32>
    %lt3A_237 = vector.broadcast %slice3A_30 : vector<1x8400xf32> to vector<64x8400xf32>
    %lt3A_238 = arith.cmpf olt, %lt3A, %lt3A_237 : vector<64x8400xf32>
    %lt3A_239 = vector.broadcast %slice3A_33 : vector<64x1xf32> to vector<64x8400xf32>
    %lt3A_240 = vector.broadcast %slice3A_31 : vector<1x8400xf32> to vector<64x8400xf32>
    %lt3A_241 = arith.cmpf olt, %lt3A_239, %lt3A_240 : vector<64x8400xf32>
    %and3A_242 = arith.andi %lt3A_238, %lt3A_241 : vector<64x8400xi1>
    %gt3A_243 = vector.broadcast %slice3A_34 : vector<64x1xf32> to vector<64x8400xf32>
    %gt3A_244 = vector.broadcast %slice3A_30 : vector<1x8400xf32> to vector<64x8400xf32>
    %gt3A_245 = arith.cmpf ogt, %gt3A_243, %gt3A_244 : vector<64x8400xf32>
    %and3A_246 = arith.andi %and3A_242, %gt3A_245 : vector<64x8400xi1>
    %gt3A_247 = vector.broadcast %slice3A_35 : vector<64x1xf32> to vector<64x8400xf32>
    %gt3A_248 = vector.broadcast %slice3A_31 : vector<1x8400xf32> to vector<64x8400xf32>
    %gt3A_249 = arith.cmpf ogt, %gt3A_247, %gt3A_248 : vector<64x8400xf32>
    %and3A_250 = arith.andi %and3A_246, %gt3A_249 : vector<64x8400xi1>
    %sqrt3A = math.sqrt %dot_general3A_44 : vector<64x8400xf32>
    %mul3A_251 = arith.mulf %sqrt3A, %mul3A_236 : vector<64x8400xf32>
    %jit3A_252 = arith.constant 0.000000e+00 : f32
    %broadcast_in_dim3A_253 = vector.broadcast %jit3A_252 : f32 to vector<64x8400xf32>
    %select_n3A_254 = arith.select %and3A_250, %mul3A_251, %broadcast_in_dim3A_253 : vector<64x8400xi1>, vector<64x8400xf32>
    %swap3A = arith.constant 0 : index
    %swap3A_255 = arith.constant 0 : index
    %swap3A_256 = arith.constant 0 : index
    %swap3A_257 = vector.load %arg7[%swap3A, %swap3A_255, %swap3A_256] : memref<1x64x8400xf32, #tpu.memory_space<vmem>>, vector<1x64x8400xf32>
    %swap3A_258 = vector.shape_cast %swap3A_257 : vector<1x64x8400xf32> to vector<64x8400xf32>
    %swap3A_259 = vector.shape_cast %select_n3A_254 : vector<64x8400xf32> to vector<1x64x8400xf32>
    tpu.vector_store %arg7[%swap3A, %swap3A_255, %swap3A_256], %swap3A_259 {strides = array<i32>} : memref<1x64x8400xf32, #tpu.memory_space<vmem>>, vector<1x64x8400xf32>,
    %swap3A_260 = arith.constant 0 : index
    %swap3A_261 = arith.constant 0 : index
    %swap3A_262 = arith.constant 0 : index
    %swap3A_263 = vector.load %arg8[%swap3A_260, %swap3A_261, %swap3A_262] : memref<1x64x8400xf32, #tpu.memory_space<vmem>>, vector<1x64x8400xf32>
    %swap3A_264 = vector.shape_cast %swap3A_263 : vector<1x64x8400xf32> to vector<64x8400xf32>
    %swap3A_265 = vector.shape_cast %sub3A_233 : vector<64x8400xf32> to vector<1x64x8400xf32>
    tpu.vector_store %arg8[%swap3A_260, %swap3A_261, %swap3A_262], %swap3A_265 {strides = array<i32>} : memref<1x64x8400xf32, #tpu.memory_space<vmem>>, vector<1x64x8400xf32>,
    return
  }
  func.func @transform_0(%arg0: i32) -> (i32, i32, i32) {
    %c0_i32 = arith.constant 0 : i32
    %c0_i32_0 = arith.constant 0 : i32
    %c0_i32_1 = arith.constant 0 : i32
    return %arg0, %c0_i32, %c0_i32_0 : i32, i32, i32
  }
  func.func @transform_1(%arg0: i32) -> (i32, i32, i32) {
    %c0_i32 = arith.constant 0 : i32
    %c0_i32_0 = arith.constant 0 : i32
    %c0_i32_1 = arith.constant 0 : i32
    return %arg0, %c0_i32, %c0_i32_0 : i32, i32, i32
  }
  func.func @transform_2(%arg0: i32) -> (i32, i32) {
    %c0_i32 = arith.constant 0 : i32
    %c0_i32_0 = arith.constant 0 : i32
    %c0_i32_1 = arith.constant 0 : i32
    return %c0_i32, %c0_i32_0 : i32, i32
  }
  func.func @transform_3(%arg0: i32) -> (i32, i32, i32) {
    %c0_i32 = arith.constant 0 : i32
    %c0_i32_0 = arith.constant 0 : i32
    %c0_i32_1 = arith.constant 0 : i32
    return %arg0, %c0_i32, %c0_i32_0 : i32, i32, i32
  }
  func.func @transform_4(%arg0: i32) -> (i32, i32, i32) {
    %c0_i32 = arith.constant 0 : i32
    %c0_i32_0 = arith.constant 0 : i32
    %c0_i32_1 = arith.constant 0 : i32
    return %arg0, %c0_i32, %c0_i32_0 : i32, i32, i32
  }
  func.func @transform_5(%arg0: i32) -> (i32, i32, i32) {
    %c0_i32 = arith.constant 0 : i32
    %c0_i32_0 = arith.constant 0 : i32
    %c0_i32_1 = arith.constant 0 : i32
    return %arg0, %c0_i32, %c0_i32_0 : i32, i32, i32
  }
  func.func @transform_6(%arg0: i32) -> (i32, i32, i32) {
    %c0_i32 = arith.constant 0 : i32
    %c0_i32_0 = arith.constant 0 : i32
    %c0_i32_1 = arith.constant 0 : i32
    return %arg0, %c0_i32, %c0_i32_0 : i32, i32, i32
  }
  func.func @transform_7(%arg0: i32) -> (i32, i32, i32) {
    %c0_i32 = arith.constant 0 : i32
    %c0_i32_0 = arith.constant 0 : i32
    %c0_i32_1 = arith.constant 0 : i32
    return %arg0, %c0_i32, %c0_i32_0 : i32, i32, i32
  }
}

module attributes {stable_mosaic.version = 14 : i64} {
  func.func @_finish_kernel(%arg0: i32, %arg1: memref<1x64x8400xf32, #tpu.memory_space<vmem>>, %arg2: memref<1x64x8400xf32, #tpu.memory_space<vmem>>, %arg3: memref<1x64x160xf32, #tpu.memory_space<vmem>>, %arg4: memref<1x64x1xi32, #tpu.memory_space<vmem>>, %arg5: memref<1x64x4xf32, #tpu.memory_space<vmem>>, %arg6: memref<1x64x1xf32, #tpu.memory_space<vmem>>, %arg7: memref<1x4x8400xf32, #tpu.memory_space<vmem>>, %arg8: memref<1x80x8400xf32, #tpu.memory_space<vmem>>, %arg9: memref<1x1x8400xf32, #tpu.memory_space<vmem>>, %arg10: memref<1x1x8400xf32, #tpu.memory_space<vmem>>) attributes {dimension_semantics = [#tpu.dimension_semantics<arbitrary>], iteration_bounds = array<i64: 8>, scalar_prefetch = 0 : i64, scratch_operands = 0 : i64, tpu.core_type = #tpu.core_type<tc>, window_params = [{transform_indices = @transform_0, window_bounds = array<i64: 1, 64, 8400>}, {transform_indices = @transform_1, window_bounds = array<i64: 1, 64, 8400>}, {transform_indices = @transform_2, window_bounds = array<i64: 1, 64, 160>}, {transform_indices = @transform_3, window_bounds = array<i64: 1, 64, 1>}, {transform_indices = @transform_4, window_bounds = array<i64: 1, 64, 4>}, {transform_indices = @transform_5, window_bounds = array<i64: 1, 64, 1>}, {transform_indices = @transform_6, window_bounds = array<i64: 1, 4, 8400>}, {transform_indices = @transform_7, window_bounds = array<i64: 1, 80, 8400>}, {transform_indices = @transform_8, window_bounds = array<i64: 1, 1, 8400>}, {transform_indices = @transform_9, window_bounds = array<i64: 1, 1, 8400>}]} {
    %get3A = arith.constant 0 : index
    %get3A_0 = arith.constant 0 : index
    %get3A_1 = arith.constant 0 : index
    %get3A_2 = vector.load %arg1[%get3A, %get3A_0, %get3A_1] : memref<1x64x8400xf32, #tpu.memory_space<vmem>>, vector<1x64x8400xf32>
    %get3A_3 = vector.shape_cast %get3A_2 : vector<1x64x8400xf32> to vector<64x8400xf32>
    %get3A_4 = arith.constant 0 : index
    %get3A_5 = arith.constant 0 : index
    %get3A_6 = arith.constant 0 : index
    %get3A_7 = vector.load %arg2[%get3A_4, %get3A_5, %get3A_6] : memref<1x64x8400xf32, #tpu.memory_space<vmem>>, vector<1x64x8400xf32>
    %get3A_8 = vector.shape_cast %get3A_7 : vector<1x64x8400xf32> to vector<64x8400xf32>
    %get3A_9 = arith.constant 0 : index
    %get3A_10 = arith.constant 0 : index
    %get3A_11 = arith.constant 0 : index
    %get3A_12 = vector.load %arg3[%get3A_9, %get3A_10, %get3A_11] : memref<1x64x160xf32, #tpu.memory_space<vmem>>, vector<1x64x160xf32>
    %get3A_13 = vector.shape_cast %get3A_12 : vector<1x64x160xf32> to vector<64x160xf32>
    %get3A_14 = arith.constant 0 : index
    %get3A_15 = arith.constant 0 : index
    %get3A_16 = arith.constant 0 : index
    %get3A_17 = vector.load %arg5[%get3A_14, %get3A_15, %get3A_16] : memref<1x64x4xf32, #tpu.memory_space<vmem>>, vector<1x64x4xf32>
    %get3A_18 = vector.shape_cast %get3A_17 : vector<1x64x4xf32> to vector<64x4xf32>
    %get3A_19 = arith.constant 0 : index
    %get3A_20 = arith.constant 0 : index
    %get3A_21 = arith.constant 0 : index
    %get3A_22 = vector.load %arg4[%get3A_19, %get3A_20, %get3A_21] : memref<1x64x1xi32, #tpu.memory_space<vmem>>, vector<1x64x1xi32>
    %get3A_23 = vector.shape_cast %get3A_22 : vector<1x64x1xi32> to vector<64x1xi32>
    %get3A_24 = arith.constant 0 : index
    %get3A_25 = arith.constant 0 : index
    %get3A_26 = arith.constant 0 : index
    %get3A_27 = vector.load %arg6[%get3A_24, %get3A_25, %get3A_26] : memref<1x64x1xf32, #tpu.memory_space<vmem>>, vector<1x64x1xf32>
    %get3A_28 = vector.shape_cast %get3A_27 : vector<1x64x1xf32> to vector<64x1xf32>
    %reduce_max3A = arith.constant dense<0xFF800000> : vector<64xf32>
    %reduce_max3A_29 = vector.multi_reduction <maximumf>, %get3A_13, %reduce_max3A [1] : vector<64x160xf32> to vector<64xf32>
    %broadcast_in_dim3A = vector.shape_cast %reduce_max3A_29 : vector<64xf32> to vector<64x1xf32>
    %eq3A = vector.broadcast %broadcast_in_dim3A : vector<64x1xf32> to vector<64x160xf32>
    %eq3A_30 = arith.cmpf oeq, %get3A_13, %eq3A : vector<64x160xf32>
    %jit3A = arith.constant -1.000000e+00 : f32
    %broadcast_in_dim3A_31 = vector.broadcast %jit3A : f32 to vector<64x160xf32>
    %select_n3A = arith.select %eq3A_30, %broadcast_in_dim3A_31, %get3A_13 : vector<64x160xi1>, vector<64x160xf32>
    %reduce_max3A_32 = arith.constant dense<0xFF800000> : vector<64xf32>
    %reduce_max3A_33 = vector.multi_reduction <maximumf>, %select_n3A, %reduce_max3A_32 [1] : vector<64x160xf32> to vector<64xf32>
    %broadcast_in_dim3A_34 = vector.shape_cast %reduce_max3A_33 : vector<64xf32> to vector<64x1xf32>
    %eq3A_35 = vector.broadcast %broadcast_in_dim3A_34 : vector<64x1xf32> to vector<64x160xf32>
    %eq3A_36 = arith.cmpf oeq, %select_n3A, %eq3A_35 : vector<64x160xf32>
    %jit3A_37 = arith.constant -1.000000e+00 : f32
    %broadcast_in_dim3A_38 = vector.broadcast %jit3A_37 : f32 to vector<64x160xf32>
    %select_n3A_39 = arith.select %eq3A_36, %broadcast_in_dim3A_38, %select_n3A : vector<64x160xi1>, vector<64x160xf32>
    %reduce_max3A_40 = arith.constant dense<0xFF800000> : vector<64xf32>
    %reduce_max3A_41 = vector.multi_reduction <maximumf>, %select_n3A_39, %reduce_max3A_40 [1] : vector<64x160xf32> to vector<64xf32>
    %broadcast_in_dim3A_42 = vector.shape_cast %reduce_max3A_41 : vector<64xf32> to vector<64x1xf32>
    %eq3A_43 = vector.broadcast %broadcast_in_dim3A_42 : vector<64x1xf32> to vector<64x160xf32>
    %eq3A_44 = arith.cmpf oeq, %select_n3A_39, %eq3A_43 : vector<64x160xf32>
    %jit3A_45 = arith.constant -1.000000e+00 : f32
    %broadcast_in_dim3A_46 = vector.broadcast %jit3A_45 : f32 to vector<64x160xf32>
    %select_n3A_47 = arith.select %eq3A_44, %broadcast_in_dim3A_46, %select_n3A_39 : vector<64x160xi1>, vector<64x160xf32>
    %reduce_max3A_48 = arith.constant dense<0xFF800000> : vector<64xf32>
    %reduce_max3A_49 = vector.multi_reduction <maximumf>, %select_n3A_47, %reduce_max3A_48 [1] : vector<64x160xf32> to vector<64xf32>
    %broadcast_in_dim3A_50 = vector.shape_cast %reduce_max3A_49 : vector<64xf32> to vector<64x1xf32>
    %eq3A_51 = vector.broadcast %broadcast_in_dim3A_50 : vector<64x1xf32> to vector<64x160xf32>
    %eq3A_52 = arith.cmpf oeq, %select_n3A_47, %eq3A_51 : vector<64x160xf32>
    %jit3A_53 = arith.constant -1.000000e+00 : f32
    %broadcast_in_dim3A_54 = vector.broadcast %jit3A_53 : f32 to vector<64x160xf32>
    %select_n3A_55 = arith.select %eq3A_52, %broadcast_in_dim3A_54, %select_n3A_47 : vector<64x160xi1>, vector<64x160xf32>
    %reduce_max3A_56 = arith.constant dense<0xFF800000> : vector<64xf32>
    %reduce_max3A_57 = vector.multi_reduction <maximumf>, %select_n3A_55, %reduce_max3A_56 [1] : vector<64x160xf32> to vector<64xf32>
    %broadcast_in_dim3A_58 = vector.shape_cast %reduce_max3A_57 : vector<64xf32> to vector<64x1xf32>
    %eq3A_59 = vector.broadcast %broadcast_in_dim3A_58 : vector<64x1xf32> to vector<64x160xf32>
    %eq3A_60 = arith.cmpf oeq, %select_n3A_55, %eq3A_59 : vector<64x160xf32>
    %jit3A_61 = arith.constant -1.000000e+00 : f32
    %broadcast_in_dim3A_62 = vector.broadcast %jit3A_61 : f32 to vector<64x160xf32>
    %select_n3A_63 = arith.select %eq3A_60, %broadcast_in_dim3A_62, %select_n3A_55 : vector<64x160xi1>, vector<64x160xf32>
    %reduce_max3A_64 = arith.constant dense<0xFF800000> : vector<64xf32>
    %reduce_max3A_65 = vector.multi_reduction <maximumf>, %select_n3A_63, %reduce_max3A_64 [1] : vector<64x160xf32> to vector<64xf32>
    %broadcast_in_dim3A_66 = vector.shape_cast %reduce_max3A_65 : vector<64xf32> to vector<64x1xf32>
    %eq3A_67 = vector.broadcast %broadcast_in_dim3A_66 : vector<64x1xf32> to vector<64x160xf32>
    %eq3A_68 = arith.cmpf oeq, %select_n3A_63, %eq3A_67 : vector<64x160xf32>
    %jit3A_69 = arith.constant -1.000000e+00 : f32
    %broadcast_in_dim3A_70 = vector.broadcast %jit3A_69 : f32 to vector<64x160xf32>
    %select_n3A_71 = arith.select %eq3A_68, %broadcast_in_dim3A_70, %select_n3A_63 : vector<64x160xi1>, vector<64x160xf32>
    %reduce_max3A_72 = arith.constant dense<0xFF800000> : vector<64xf32>
    %reduce_max3A_73 = vector.multi_reduction <maximumf>, %select_n3A_71, %reduce_max3A_72 [1] : vector<64x160xf32> to vector<64xf32>
    %broadcast_in_dim3A_74 = vector.shape_cast %reduce_max3A_73 : vector<64xf32> to vector<64x1xf32>
    %eq3A_75 = vector.broadcast %broadcast_in_dim3A_74 : vector<64x1xf32> to vector<64x160xf32>
    %eq3A_76 = arith.cmpf oeq, %select_n3A_71, %eq3A_75 : vector<64x160xf32>
    %jit3A_77 = arith.constant -1.000000e+00 : f32
    %broadcast_in_dim3A_78 = vector.broadcast %jit3A_77 : f32 to vector<64x160xf32>
    %select_n3A_79 = arith.select %eq3A_76, %broadcast_in_dim3A_78, %select_n3A_71 : vector<64x160xi1>, vector<64x160xf32>
    %reduce_max3A_80 = arith.constant dense<0xFF800000> : vector<64xf32>
    %reduce_max3A_81 = vector.multi_reduction <maximumf>, %select_n3A_79, %reduce_max3A_80 [1] : vector<64x160xf32> to vector<64xf32>
    %broadcast_in_dim3A_82 = vector.shape_cast %reduce_max3A_81 : vector<64xf32> to vector<64x1xf32>
    %eq3A_83 = vector.broadcast %broadcast_in_dim3A_82 : vector<64x1xf32> to vector<64x160xf32>
    %eq3A_84 = arith.cmpf oeq, %select_n3A_79, %eq3A_83 : vector<64x160xf32>
    %jit3A_85 = arith.constant -1.000000e+00 : f32
    %broadcast_in_dim3A_86 = vector.broadcast %jit3A_85 : f32 to vector<64x160xf32>
    %select_n3A_87 = arith.select %eq3A_84, %broadcast_in_dim3A_86, %select_n3A_79 : vector<64x160xi1>, vector<64x160xf32>
    %reduce_max3A_88 = arith.constant dense<0xFF800000> : vector<64xf32>
    %reduce_max3A_89 = vector.multi_reduction <maximumf>, %select_n3A_87, %reduce_max3A_88 [1] : vector<64x160xf32> to vector<64xf32>
    %broadcast_in_dim3A_90 = vector.shape_cast %reduce_max3A_89 : vector<64xf32> to vector<64x1xf32>
    %eq3A_91 = vector.broadcast %broadcast_in_dim3A_90 : vector<64x1xf32> to vector<64x160xf32>
    %eq3A_92 = arith.cmpf oeq, %select_n3A_87, %eq3A_91 : vector<64x160xf32>
    %jit3A_93 = arith.constant -1.000000e+00 : f32
    %broadcast_in_dim3A_94 = vector.broadcast %jit3A_93 : f32 to vector<64x160xf32>
    %select_n3A_95 = arith.select %eq3A_92, %broadcast_in_dim3A_94, %select_n3A_87 : vector<64x160xi1>, vector<64x160xf32>
    %reduce_max3A_96 = arith.constant dense<0xFF800000> : vector<64xf32>
    %reduce_max3A_97 = vector.multi_reduction <maximumf>, %select_n3A_95, %reduce_max3A_96 [1] : vector<64x160xf32> to vector<64xf32>
    %broadcast_in_dim3A_98 = vector.shape_cast %reduce_max3A_97 : vector<64xf32> to vector<64x1xf32>
    %ge3A = vector.broadcast %broadcast_in_dim3A_98 : vector<64x1xf32> to vector<64x8400xf32>
    %ge3A_99 = arith.cmpf oge, %get3A_3, %ge3A : vector<64x8400xf32>
    %gt3A = arith.constant 0.000000e+00 : f32
    %gt3A_100 = vector.broadcast %gt3A : f32 to vector<64x8400xf32>
    %gt3A_101 = arith.cmpf ogt, %get3A_3, %gt3A_100 : vector<64x8400xf32>
    %and3A = arith.andi %ge3A_99, %gt3A_101 : vector<64x8400xi1>
    %jit3A_102 = arith.constant 0.000000e+00 : f32
    %broadcast_in_dim3A_103 = vector.broadcast %jit3A_102 : f32 to vector<64x8400xf32>
    %select_n3A_104 = arith.select %and3A, %get3A_8, %broadcast_in_dim3A_103 : vector<64x8400xi1>, vector<64x8400xf32>
    %jit3A_105 = arith.constant 0.000000e+00 : f32
    %broadcast_in_dim3A_106 = vector.broadcast %jit3A_105 : f32 to vector<64x8400xf32>
    %select_n3A_107 = arith.select %and3A, %get3A_3, %broadcast_in_dim3A_106 : vector<64x8400xi1>, vector<64x8400xf32>
    %reduce_max3A_108 = arith.constant dense<0xFF800000> : vector<8400xf32>
    %reduce_max3A_109 = vector.multi_reduction <maximumf>, %select_n3A_104, %reduce_max3A_108 [0] : vector<64x8400xf32> to vector<8400xf32>
    %broadcast_in_dim3A_110 = vector.shape_cast %reduce_max3A_109 : vector<8400xf32> to vector<1x8400xf32>
    %iota3A = tpu.iota {dimensions = array<i32: 0>} : vector<64x8400xi32>
    %eq3A_111 = vector.broadcast %broadcast_in_dim3A_110 : vector<1x8400xf32> to vector<64x8400xf32>
    %eq3A_112 = arith.cmpf oeq, %select_n3A_104, %eq3A_111 : vector<64x8400xf32>
    %jit3A_113 = arith.constant 64 : i32
    %broadcast_in_dim3A_114 = vector.broadcast %jit3A_113 : i32 to vector<64x8400xi32>
    %select_n3A_115 = arith.select %eq3A_112, %iota3A, %broadcast_in_dim3A_114 : vector<64x8400xi1>, vector<64x8400xi32>
    %reduce_min3A = arith.constant dense<2147483647> : vector<8400xi32>
    %reduce_min3A_116 = vector.multi_reduction <minsi>, %select_n3A_115, %reduce_min3A [0] : vector<64x8400xi32> to vector<8400xi32>
    %broadcast_in_dim3A_117 = vector.shape_cast %reduce_min3A_116 : vector<8400xi32> to vector<1x8400xi32>
    %gt3A_118 = arith.constant 0.000000e+00 : f32
    %gt3A_119 = vector.broadcast %gt3A_118 : f32 to vector<1x8400xf32>
    %gt3A_120 = arith.cmpf ogt, %broadcast_in_dim3A_110, %gt3A_119 : vector<1x8400xf32>
    %eq3A_121 = vector.broadcast %broadcast_in_dim3A_117 : vector<1x8400xi32> to vector<64x8400xi32>
    %eq3A_122 = arith.cmpi eq, %iota3A, %eq3A_121 : vector<64x8400xi32>
    %convert_element_type3A = arith.extui %eq3A_122 : vector<64x8400xi1> to vector<64x8400xi32>
    %convert_element_type3A_123 = arith.sitofp %convert_element_type3A : vector<64x8400xi32> to vector<64x8400xf32>
    %broadcast_in_dim3A_124 = arith.constant 0.000000e+00 : f32
    %broadcast_in_dim3A_125 = vector.broadcast %broadcast_in_dim3A_124 : f32 to vector<64x3xf32>
    %concatenate3A = tpu.concatenate %get3A_18, %get3A_28, %broadcast_in_dim3A_125 in 1 : vector<64x4xf32>, vector<64x1xf32>, vector<64x3xf32> -> vector<64x8xf32>
    %dot_general3A = arith.constant dense<0.000000e+00> : vector<8x8400xf32>
    %dot_general3A_126 = tpu.matmul %concatenate3A, %convert_element_type3A_123, %dot_general3A {dimension_numbers = #tpu.dot_dimension_numbers<[0], [0], [1], [1], [0, 1, 1, 1], [], []>, precision = #tpu.contract_precision<fp32>, transpose_lhs_hint = false} : vector<64x8xf32>, vector<64x8400xf32>, vector<8x8400xf32> -> vector<8x8400xf32>
    %reduce_max3A_127 = arith.constant dense<0xFF800000> : vector<64xf32>
    %reduce_max3A_128 = vector.multi_reduction <maximumf>, %select_n3A_107, %reduce_max3A_127 [1] : vector<64x8400xf32> to vector<64xf32>
    %broadcast_in_dim3A_129 = vector.shape_cast %reduce_max3A_128 : vector<64xf32> to vector<64x1xf32>
    %reduce_max3A_130 = arith.constant dense<0xFF800000> : vector<64xf32>
    %reduce_max3A_131 = vector.multi_reduction <maximumf>, %select_n3A_104, %reduce_max3A_130 [1] : vector<64x8400xf32> to vector<64xf32>
    %broadcast_in_dim3A_132 = vector.shape_cast %reduce_max3A_131 : vector<64xf32> to vector<64x1xf32>
    %add3A = arith.constant 9.99999971E-10 : f32
    %add3A_133 = vector.broadcast %add3A : f32 to vector<64x1xf32>
    %add3A_134 = arith.addf %broadcast_in_dim3A_129, %add3A_133 : vector<64x1xf32>
    %div3A = arith.divf %broadcast_in_dim3A_132, %add3A_134 : vector<64x1xf32>
    %mul3A = vector.broadcast %div3A : vector<64x1xf32> to vector<64x8400xf32>
    %mul3A_135 = arith.mulf %select_n3A_107, %mul3A : vector<64x8400xf32>
    %reduce_max3A_136 = arith.constant dense<0xFF800000> : vector<8400xf32>
    %reduce_max3A_137 = vector.multi_reduction <maximumf>, %mul3A_135, %reduce_max3A_136 [0] : vector<64x8400xf32> to vector<8400xf32>
    %broadcast_in_dim3A_138 = vector.shape_cast %reduce_max3A_137 : vector<8400xf32> to vector<1x8400xf32>
    %slice3A = vector.extract_strided_slice %dot_general3A_126 {offsets = [0, 0], sizes = [4, 8400], strides = [1, 1]} : vector<8x8400xf32> to vector<4x8400xf32>
    %jit3A_139 = arith.constant -1.000000e+00 : f32
    %broadcast_in_dim3A_140 = vector.shape_cast %gt3A_120 : vector<1x8400xi1> to vector<1x8400xi1>
    %broadcast_in_dim3A_141 = vector.broadcast %broadcast_in_dim3A_140 : vector<1x8400xi1> to vector<4x8400xi1>
    %broadcast_in_dim3A_142 = vector.broadcast %jit3A_139 : f32 to vector<4x8400xf32>
    %select_n3A_143 = arith.select %broadcast_in_dim3A_141, %slice3A, %broadcast_in_dim3A_142 : vector<4x8400xi1>, vector<4x8400xf32>
    %swap3A = arith.constant 0 : index
    %swap3A_144 = arith.constant 0 : index
    %swap3A_145 = arith.constant 0 : index
    %swap3A_146 = vector.load %arg7[%swap3A, %swap3A_144, %swap3A_145] : memref<1x4x8400xf32, #tpu.memory_space<vmem>>, vector<1x4x8400xf32>
    %swap3A_147 = vector.shape_cast %swap3A_146 : vector<1x4x8400xf32> to vector<4x8400xf32>
    %swap3A_148 = vector.shape_cast %select_n3A_143 : vector<4x8400xf32> to vector<1x4x8400xf32>
    tpu.vector_store %arg7[%swap3A, %swap3A_144, %swap3A_145], %swap3A_148 {strides = array<i32>} : memref<1x4x8400xf32, #tpu.memory_space<vmem>>, vector<1x4x8400xf32>,
    %max3A = arith.constant 0 : i32
    %max3A_149 = vector.broadcast %max3A : i32 to vector<64x1xi32>
    %max3A_150 = arith.maxsi %get3A_23, %max3A_149 : vector<64x1xi32>
    %iota3A_151 = tpu.iota {dimensions = array<i32: 1>} : vector<64x80xi32>
    %eq3A_152 = vector.broadcast %max3A_150 : vector<64x1xi32> to vector<64x80xi32>
    %eq3A_153 = arith.cmpi eq, %iota3A_151, %eq3A_152 : vector<64x80xi32>
    %convert_element_type3A_154 = arith.extui %eq3A_153 : vector<64x80xi1> to vector<64x80xi32>
    %convert_element_type3A_155 = arith.sitofp %convert_element_type3A_154 : vector<64x80xi32> to vector<64x80xf32>
    %jit3A_156 = arith.constant 0.000000e+00 : f32
    %broadcast_in_dim3A_157 = vector.broadcast %jit3A_156 : f32 to vector<1x8400xf32>
    %select_n3A_158 = arith.select %gt3A_120, %broadcast_in_dim3A_138, %broadcast_in_dim3A_157 : vector<1x8400xi1>, vector<1x8400xf32>
    %mul3A_159 = vector.broadcast %select_n3A_158 : vector<1x8400xf32> to vector<64x8400xf32>
    %mul3A_160 = arith.mulf %convert_element_type3A_123, %mul3A_159 : vector<64x8400xf32>
    %dot_general3A_161 = arith.constant dense<0.000000e+00> : vector<80x8400xf32>
    %dot_general3A_162 = tpu.matmul %convert_element_type3A_155, %mul3A_160, %dot_general3A_161 {dimension_numbers = #tpu.dot_dimension_numbers<[0], [0], [1], [1], [0, 1, 1, 1], [], []>, precision = #tpu.contract_precision<fp32>, transpose_lhs_hint = false} : vector<64x80xf32>, vector<64x8400xf32>, vector<80x8400xf32> -> vector<80x8400xf32>
    %swap3A_163 = arith.constant 0 : index
    %swap3A_164 = arith.constant 0 : index
    %swap3A_165 = arith.constant 0 : index
    %swap3A_166 = vector.load %arg8[%swap3A_163, %swap3A_164, %swap3A_165] : memref<1x80x8400xf32, #tpu.memory_space<vmem>>, vector<1x80x8400xf32>
    %swap3A_167 = vector.shape_cast %swap3A_166 : vector<1x80x8400xf32> to vector<80x8400xf32>
    %swap3A_168 = vector.shape_cast %dot_general3A_162 : vector<80x8400xf32> to vector<1x80x8400xf32>
    tpu.vector_store %arg8[%swap3A_163, %swap3A_164, %swap3A_165], %swap3A_168 {strides = array<i32>} : memref<1x80x8400xf32, #tpu.memory_space<vmem>>, vector<1x80x8400xf32>,
    %slice3A_169 = vector.extract_strided_slice %dot_general3A_126 {offsets = [4, 0], sizes = [1, 8400], strides = [1, 1]} : vector<8x8400xf32> to vector<1x8400xf32>
    %jit3A_170 = arith.constant -1.000000e+00 : f32
    %broadcast_in_dim3A_171 = vector.broadcast %jit3A_170 : f32 to vector<1x8400xf32>
    %select_n3A_172 = arith.select %gt3A_120, %slice3A_169, %broadcast_in_dim3A_171 : vector<1x8400xi1>, vector<1x8400xf32>
    %mul3A_173 = arith.mulf %select_n3A_172, %broadcast_in_dim3A_138 : vector<1x8400xf32>
    %swap3A_174 = arith.constant 0 : index
    %swap3A_175 = arith.constant 0 : index
    %swap3A_176 = arith.constant 0 : index
    %swap3A_177 = vector.load %arg9[%swap3A_174, %swap3A_175, %swap3A_176] : memref<1x1x8400xf32, #tpu.memory_space<vmem>>, vector<1x1x8400xf32>
    %swap3A_178 = vector.shape_cast %swap3A_177 : vector<1x1x8400xf32> to vector<1x8400xf32>
    %swap3A_179 = vector.shape_cast %mul3A_173 : vector<1x8400xf32> to vector<1x1x8400xf32>
    tpu.vector_store %arg9[%swap3A_174, %swap3A_175, %swap3A_176], %swap3A_179 {strides = array<i32>} : memref<1x1x8400xf32, #tpu.memory_space<vmem>>, vector<1x1x8400xf32>,
    %broadcast_in_dim3A_180 = arith.constant 1.000000e+00 : f32
    %broadcast_in_dim3A_181 = vector.broadcast %broadcast_in_dim3A_180 : f32 to vector<1x8400xf32>
    %swap3A_182 = arith.constant 0 : index
    %swap3A_183 = arith.constant 0 : index
    %swap3A_184 = arith.constant 0 : index
    %swap3A_185 = vector.load %arg10[%swap3A_182, %swap3A_183, %swap3A_184] : memref<1x1x8400xf32, #tpu.memory_space<vmem>>, vector<1x1x8400xf32>
    %swap3A_186 = vector.shape_cast %swap3A_185 : vector<1x1x8400xf32> to vector<1x8400xf32>
    %swap3A_187 = vector.shape_cast %broadcast_in_dim3A_181 : vector<1x8400xf32> to vector<1x1x8400xf32>
    tpu.vector_store %arg10[%swap3A_182, %swap3A_183, %swap3A_184], %swap3A_187 {strides = array<i32>} : memref<1x1x8400xf32, #tpu.memory_space<vmem>>, vector<1x1x8400xf32>,
    return
  }
  func.func @transform_0(%arg0: i32) -> (i32, i32, i32) {
    %c0_i32 = arith.constant 0 : i32
    %c0_i32_0 = arith.constant 0 : i32
    %c0_i32_1 = arith.constant 0 : i32
    return %arg0, %c0_i32, %c0_i32_0 : i32, i32, i32
  }
  func.func @transform_1(%arg0: i32) -> (i32, i32, i32) {
    %c0_i32 = arith.constant 0 : i32
    %c0_i32_0 = arith.constant 0 : i32
    %c0_i32_1 = arith.constant 0 : i32
    return %arg0, %c0_i32, %c0_i32_0 : i32, i32, i32
  }
  func.func @transform_2(%arg0: i32) -> (i32, i32, i32) {
    %c0_i32 = arith.constant 0 : i32
    %c0_i32_0 = arith.constant 0 : i32
    %c0_i32_1 = arith.constant 0 : i32
    return %arg0, %c0_i32, %c0_i32_0 : i32, i32, i32
  }
  func.func @transform_3(%arg0: i32) -> (i32, i32, i32) {
    %c0_i32 = arith.constant 0 : i32
    %c0_i32_0 = arith.constant 0 : i32
    %c0_i32_1 = arith.constant 0 : i32
    return %arg0, %c0_i32, %c0_i32_0 : i32, i32, i32
  }
  func.func @transform_4(%arg0: i32) -> (i32, i32, i32) {
    %c0_i32 = arith.constant 0 : i32
    %c0_i32_0 = arith.constant 0 : i32
    %c0_i32_1 = arith.constant 0 : i32
    return %arg0, %c0_i32, %c0_i32_0 : i32, i32, i32
  }
  func.func @transform_5(%arg0: i32) -> (i32, i32, i32) {
    %c0_i32 = arith.constant 0 : i32
    %c0_i32_0 = arith.constant 0 : i32
    %c0_i32_1 = arith.constant 0 : i32
    return %arg0, %c0_i32, %c0_i32_0 : i32, i32, i32
  }
  func.func @transform_6(%arg0: i32) -> (i32, i32, i32) {
    %c0_i32 = arith.constant 0 : i32
    %c0_i32_0 = arith.constant 0 : i32
    %c0_i32_1 = arith.constant 0 : i32
    return %arg0, %c0_i32, %c0_i32_0 : i32, i32, i32
  }
  func.func @transform_7(%arg0: i32) -> (i32, i32, i32) {
    %c0_i32 = arith.constant 0 : i32
    %c0_i32_0 = arith.constant 0 : i32
    %c0_i32_1 = arith.constant 0 : i32
    return %arg0, %c0_i32, %c0_i32_0 : i32, i32, i32
  }
  func.func @transform_8(%arg0: i32) -> (i32, i32, i32) {
    %c0_i32 = arith.constant 0 : i32
    %c0_i32_0 = arith.constant 0 : i32
    %c0_i32_1 = arith.constant 0 : i32
    return %arg0, %c0_i32, %c0_i32_0 : i32, i32, i32
  }
  func.func @transform_9(%arg0: i32) -> (i32, i32, i32) {
    %c0_i32 = arith.constant 0 : i32
    %c0_i32_0 = arith.constant 0 : i32
    %c0_i32_1 = arith.constant 0 : i32
    return %arg0, %c0_i32, %c0_i32_0 : i32, i32, i32
  }
}

</mosaic_0001>

<sc_bundles>
// kernel: kernel.11.cloned.1.call-start
scs
__scs_entry_jumppad:
0x0: {  	(pc) =	sbr.rel $0x88, $3  }
0x1: {  	(tag) =	ssettag $0x0;
	lr =	simm.s32 $0x1  }
0x2: {  	[smem:$0x3F9A] =	sst lr;
	_ =	strace $0xD0000000  }
0x3: {  	_ = 	snop  }
0x4: {  	_ = 	snop  }
0x5: {  	_ = 	snop  }
0x6: {  	_ = 	snop  }
0x7: {  	_ = 	snop  }
__scs_overlays_trampoline_lowered:
0x8: {  	[smem:$0x3FA9] =	sst s0  }
0x9: {  	[smem:$0x3FAA] =	sst s1  }
0xa: {  	[smem:$0x3FAB] =	sst s2  }
0xb: {  	[smem:$0x3FAC] =	sst s3  }
0xc: {  	[smem:$0x3FAD] =	sst s4  }
0xd: {  	[smem:$0x3FAE] =	sst s5  }
0xe: {  	[smem:$0x3FAF] =	sst s6  }
0xf: {  	[smem:$0x3FB0] =	sst s7  }
0x10: {  	[smem:$0x3FB1] =	sst s8  }
0x11: {  	[smem:$0x3FB2] =	sst s9;
	s0 =	simm.s32 @!p0 $0x0  }
0x12: {  	s1 =	sld [smem:$0x3F98];
	s0 =	simm.s32 @p0 $0x1  }
0x13: {  	[smem:$0x3FB3] =	sst s0;
	s0 =	simm.s32 @!p1 $0x0  }
0x14: {  	s2 =	sld [smem:$0x3F97];
	s0 =	simm.s32 @p1 $0x1  }
0x15: {  	[smem:$0x3FB4] =	sst s0;
	s0 =	simm.s32 @!p2 $0x0  }
0x16: {  	s3 =	sld [smem:$0x3FDB];
	s0 =	simm.s32 @p2 $0x1  }
0x17: {  	s4 =	simm.s32 $0x1BF5;
	[smem:$0x3FB6] =	sst s0  }
0x18: {  	s0 =	sld [smem:$0x3F99];
	_ =	swait.ge [sflag:s4], $0x0  }
0x19: {  	s7 =	sld [smem:$0x3F9A]  }
0x1a: {  	s8 =	sadd.s32 $0xFFFFE003, lr  }
0x1b: {  	s9 =	sadd.s32 $0xFFFFFEF7, lr;
	s5 =	simm.s32 $0xFFFFFFFF;
	p2 =	slt.u32 s8, $0xFFFFF086  }
0x1c: {  	p1 =	slt.u32 s9, $0xF7A;
	s5 =	simm.s32 @!p2 $0x0  }
0x1d: {  	s5 =	simm.s32 @p1 $0x1;
	p0 =	seq.s32 s7, s2  }
0x1e: {  	s7 =	smul.u32 @!p0 $0xF7A, s2;
	p2 =	seq.s32 @!p0 s5, $0x0  }
0x1f: {  	s9 =	smul.u32 $0xF7A, s1;
	s8 =	simm.s32 @!p0 $0x1BF5;
	p2 =	por !p2, p0  }
0x20: {  	[sflag:s8] =	ssyncset.s32 @!p0 $0xFFFFF086;
	s6 =	sadd.s32 @!p0 s3, s7;
	s7 =	simm.s32 @!p0 $0x108  }
0x21: {  	s3 =	sadd.s32 s3, s9;
	s6 =	sadd.s32 @!p0 $0x88, s6;
	s7 =	simm.s32 @p2 $0x1082  }
0x22: {  	[simem:s7], [sflag:s8] =	dma.local @!p0 [hbm:s6], $0xF7A  }
0x23: {  	s9 =	sor.u32 $0xD0000000, s2;
	s6 =	simm.s32 $0x108;
	_ =	swait.ge @!p0 [sflag:s8], $0x0  }
0x24: {  	s3 =	sadd.s32 $0x88, s3;
	s6 =	simm.s32 @!p1 $0x1082;
	[sflag:s4] =	ssyncset.s32 $0xFFFFF086  }
0x25: {  	[simem:s6], [sflag:s4] =	dma.local [hbm:s3], $0xF7A  }
0x26: {  	[smem:$0x3F9A] =	sst s1;
	(tag) =	ssettag s2;
	_ =	strace s9  }
0x27: {  	s1 =	sld [smem:$0x3FAA]  }
0x28: {  	s2 =	sld [smem:$0x3FAB]  }
0x29: {  	s4 =	sld [smem:$0x3FAD]  }
0x2a: {  	p0 =	seq.s32 s5, $0x0;
	s5 =	sld [smem:$0x3FAE]  }
0x2b: {  	s6 =	sld [smem:$0x3FAF]  }
0x2c: {  	s7 =	sld [smem:$0x3FB0]  }
0x2d: {  	s3 =	simm.s32 $0x108;
	s8 =	sld [smem:$0x3FB1]  }
0x2e: {  	s3 =	simm.s32 @!p0 $0x1082;
	s9 =	sld [smem:$0x3FB2]  }
0x2f: {  	lr =	sadd.s32 s0, s3;
	s0 =	sld [smem:$0x3FA9]  }
0x30: {  	s3 =	sld [smem:$0x3FAC]  }
0x31: {  	[smem:$0x3FB5] =	sst s10  }
0x32: {  	s10 =	sld [smem:$0x3FB3];
	_ =	sdelay $0x3  }
0x33: {  	p0 =	seq.s32 s10, $0x1;
	s10 =	sld [smem:$0x3FB5];
	_ =	sdelay $0x3  }
0x34: {  	[smem:$0x3FB5] =	sst s10  }
0x35: {  	s10 =	sld [smem:$0x3FB4];
	_ =	sdelay $0x3  }
0x36: {  	p1 =	seq.s32 s10, $0x1;
	s10 =	sld [smem:$0x3FB5];
	_ =	sdelay $0x3  }
0x37: {  	[smem:$0x3FB5] =	sst s10  }
0x38: {  	s10 =	sld [smem:$0x3FB6]  }
0x39: {  	_ = 	snop;
	(pc) =	sbr.ind lr, $3  }
0x3a: {  	_ = 	snop  }
0x3b: {  	_ = 	snop  }
0x3c: {  	p2 =	seq.s32 s10, $0x1;
	s10 =	sld [smem:$0x3FB5]  }
0x3d: {  	_ =	shalt  }
0x3e: {  	_ =	shalt  }
0x3f: {  	_ =	shalt  }
0x40: {  	_ =	shalt  }
0x41: {  	_ =	shalt  }
0x42: {  	_ =	shalt  }
0x43: {  	_ =	shalt  }
0x44: {  	_ =	shalt  }
0x45: {  	_ =	shalt  }
0x46: {  	_ =	shalt  }
0x47: {  	_ =	shalt  }
0x48: {  	_ =	shalt  }
0x49: {  	_ =	shalt  }
0x4a: {  	_ =	shalt  }
0x4b: {  	_ =	shalt  }
0x4c: {  	_ =	shalt  }
0x4d: {  	_ =	shalt  }
0x4e: {  	_ =	shalt  }
0x4f: {  	_ =	shalt  }
0x50: {  	_ =	shalt  }
0x51: {  	_ =	shalt  }
0x52: {  	_ =	shalt  }
0x53: {  	_ =	shalt  }
0x54: {  	_ =	shalt  }
0x55: {  	_ =	shalt  }
0x56: {  	_ =	shalt  }
0x57: {  	_ =	shalt  }
0x58: {  	_ =	shalt  }
0x59: {  	_ =	shalt  }
0x5a: {  	_ =	shalt  }
0x5b: {  	_ =	shalt  }
0x5c: {  	_ =	shalt  }
0x5d: {  	_ =	shalt  }
0x5e: {  	_ =	shalt  }
0x5f: {  	_ =	shalt  }
0x60: {  	_ =	shalt  }
0x61: {  	_ =	shalt  }
0x62: {  	_ =	shalt  }
0x63: {  	_ =	shalt  }
0x64: {  	_ =	shalt  }
0x65: {  	_ =	shalt  }
0x66: {  	_ =	shalt  }
0x67: {  	_ =	shalt  }
0x68: {  	_ =	shalt  }
0x69: {  	_ =	shalt  }
0x6a: {  	_ =	shalt  }
0x6b: {  	_ =	shalt  }
0x6c: {  	_ =	shalt  }
0x6d: {  	_ =	shalt  }
0x6e: {  	_ =	shalt  }
0x6f: {  	_ =	shalt  }
0x70: {  	_ =	shalt  }
0x71: {  	_ =	shalt  }
0x72: {  	_ =	shalt  }
0x73: {  	_ =	shalt  }
0x74: {  	_ =	shalt  }
0x75: {  	_ =	shalt  }
0x76: {  	_ =	shalt  }
0x77: {  	_ =	shalt  }
0x78: {  	_ =	shalt  }
0x79: {  	_ =	shalt  }
0x7a: {  	_ =	shalt  }
0x7b: {  	_ =	shalt  }
0x7c: {  	_ =	shalt  }
0x7d: {  	_ =	shalt  }
0x7e: {  	_ =	shalt  }
0x7f: {  	_ =	shalt  }
0x80: {  	_ =	shalt  }
0x81: {  	_ =	shalt  }
0x82: {  	_ =	shalt  }
0x83: {  	_ =	shalt  }
0x84: {  	_ =	shalt  }
0x85: {  	_ =	shalt  }
0x86: {  	_ =	shalt  }
0x87: {  	_ =	shalt  }
.Lfunc_end0:
.L_simem_size_0:
called_computation.1_lowered:
.L_overlay_start_0:
0x88: {  	s2 =	sld [smem:$0x3FD9]  }
0x89: {  	s3 =	sld [smem:$0x3FFE];
	_ =	sdelay $0x1  }
0x8a: {  	s1 =	srdreg.scid  }
0x8b: {  	s0 =	sand.u32 $0x1, s1  }
0x8c: {  	s15 =	sshll.u32 s0, $0xA;
	s2 =	sadd.s32 s3, s2  }
0x8d: {  	s2 =	sadd.s32 s2, s15  }
0x8e: {  	[smem:$0x3FC1] =	sst s2  }
0x8f: {  	_ = 	snop  }
0x90: {  	s2 =	sld [smem:$0x3FD0];
	_ =	sdelay $0x2  }
0x91: {  	s16 =	simm.s32 $0xB;
	s4 =	simm.s32 $0x10  }
0x92: {  	[smem:s4], [sflag:s16] =	dma.local [hbm:s2], $0x1  }
0x93: {  	_ =	swait.eq [sflag:s16], $0x1  }
0x94: {  	[sflag:s16] =	ssyncset.done $0x0  }
0x95: {  	[sflag:s16] =	ssyncadd.s32 $0xFFFFFFFF  }
0x96: {  	s17 =	sld [smem:$0x13];
	(tm) =	ssettm $0x1  }
0x97: {  	s18 =	sld [smem:$0x3FFB];
	_ =	sdelay $0x3  }
0x98: {  	_ =	strace s18  }
0x99: {  	s2 =	sld [smem:$0x3FFC];
	_ =	sdelay $0x3  }
0x9a: {  	_ =	strace s2  }
0x9b: {  	s2 =	sld [smem:$0x3FFD];
	_ =	sdelay $0x3  }
0x9c: {  	_ =	strace s2  }
0x9d: {  	_ =	strace $0x8FFFFFFF  }
0x9e: {  	s19 =	sld [smem:$0x3FDB];
	_ =	sdelay $0x1  }
0x9f: {  	s20 =	simm.s32 $_scs_section_size  }
0xa0: {  	s5 =	simm.s32 $_size__tile_overlayer_lowered;
	s6 =	simm.s32 $_tile_overlayer_lowered  }
0xa1: {  	s7 =	simm.s32 $0x1BFF;
	s21 =	sshll.u32 s6, $0x1;
	s4 =	sadd.s32 s20, s19  }
0xa2: {  	s22 =	simm.s32 $0x0;
	s5 =	sshll.u32 s5, $0x1;
	s6 =	sadd.s32 s21, s4  }
0xa3: {  	[timem:s22], [sflag:s7] =	dma.local [hbm:s6], s5  }
0xa4: {  	_ =	swait.ge [sflag:s7], s5  }
0xa5: {  	s5 =	ssub.s32 $0x0, s5;
	[sflag:s7] =	ssyncset.done $0x0  }
0xa6: {  	[sflag:s7] =	ssyncadd.s32 s5;
	_ =	sdelay $0x1  }
0xa7: {  	s23 =	simm.s32 $0x1B8B  }
0xa8: {  	_ =	swait.ge [sflag:s23], $0x1  }
0xa9: {  	[sflag:s23] =	ssyncset.done $0x0  }
0xaa: {  	[sflag:s23] =	ssyncadd.s32 $0xFFFFFFFF  }
0xab: {  	s5 =	sld [smem:$0x0]  }
0xac: {  	s6 =	sand.u32 $0xFFFFFFFE, s1  }
0xad: {  	p0 =	sne.s32 s1, s6  }
0xae: {  	s6 =	sshll.u32 @p0 s6, $0xE  }
0xaf: {  	s6 =	sadd.s32 @p0 $0x11B8D, s6;
	s7 =	sshll.u32 @p0 s5, $0x11  }
0xb0: {  	s6 =	sor.u32 @p0 s7, s6  }
0xb1: {  	[sflag:s6] =	ssyncadd.remote.s32 @p0 $0x1;
	_ =	sdelay $0x1  }
0xb2: {  	s6 =	simm.s32 @p0 $0x1B8D  }
0xb3: {  	_ =	swait.eq @p0 [sflag:s6], $0x1  }
0xb4: {  	[sflag:s6] =	ssyncadd.s32 @p0 $0xFFFFFFFF  }
0xb5: {  	s7 =	sshll.u32 @!p0 s1, $0xE  }
0xb6: {  	s7 =	sor.u32 @!p0 $0x4000, s7;
	s6 =	simm.s32 @!p0 $0x1B8D  }
0xb7: {  	s5 =	sshll.u32 @!p0 s5, $0x11;
	s7 =	sadd.s32 @!p0 $0x11B8D, s7;
	_ =	swait.eq @!p0 [sflag:s6], $0x1  }
0xb8: {  	s5 =	sor.u32 @!p0 s5, s7;
	[sflag:s6] =	ssyncadd.s32 @!p0 $0xFFFFFFFF  }
0xb9: {  	s25 =	simm.s32 $0x1B8E;
	s24 =	sld [smem:$0x3FFE];
	[sflag:s5] =	ssyncadd.remote.s32 @!p0 $0x1  }
0xba: {  	s26 =	simm.s32 $execute0_lowered;
	[smem:$0x3FD2] =	sst s25  }
0xbb: {  	s6 =	sshll.u32 s26, $0x1;
	_ =	strace $0x80000049;
	[dreg:$0x1] =	wrdreg $0xFFFFFFFF  }
0xbc: {  	s28 =	simm.s32 $_size_execute0_lowered;
	s4 =	sadd.s32 s4, s6;
	[dreg:$0x0] =	wrdreg $0x0  }
0xbd: {  	s6 =	sshll.u32 s28, $0x1;
	[dreg:$0x2] =	wrdreg s4  }
0xbe: {  	[dreg:$0x3] =	wrdreg s6  }
0xbf: {  	[dreg:$0x4] =	wrdreg $0xC0  }
0xc0: {  	_ =	task [dreg:s22], $0x5FFFF  }
0xc1: {  	[dreg:$0x1] =	wrdreg $0xFFFFFFFF  }
0xc2: {  	[dreg:$0x0] =	wrdreg $0x60  }
0xc3: {  	[dreg:$0x2] =	wrdreg s24  }
0xc4: {  	[dreg:$0x3] =	wrdreg s17  }
0xc5: {  	[dreg:$0x4] =	wrdreg $0xA  }
0xc6: {  	_ =	task.clear_ibuf [dreg:s22], $0x5FFFF;
	_ =	strace $0x90000049  }
0xc7: {  	s29 =	simm.s32 $0xA;
	_ =	strace $0x8000004B  }
0xc8: {  	_ =	swait.ge [sflag:s29], $0x1  }
0xc9: {  	[sflag:s29] =	ssyncadd.s32 $0xFFFFFFFF  }
0xca: {  	_ =	strace $0x9000004B  }
0xcb: {  	_ =	sfence  }
0xcc: {  	s30 =	sld [smem:$0x0];
	_ =	sdelay $0x2  }
0xcd: {  	s31 =	sshll.u32 s1, $0xD;
	s1 =	sshrl.u32 s1, $0x2  }
0xce: {  	s4 =	sand.u32 $0x4000, s31;
	s1 =	sadd.s32 s1, s30  }
0xcf: {  	s0 =	sor.u32 s4, s0;
	s1 =	sshll.u32 s1, $0x11  }
0xd0: {  	s0 =	sor.u32 s1, s0  }
0xd1: {  	s0 =	sadd.s32 $0x8F2B, s0  }
0xd2: {  	[sflag:s0] =	ssyncadd.remote.s32 $0x1  }
0xd3: {  	_ =	sfence.sel $0xFFFF  }
0xd4: {  	[dreg:$0x0] =	wrdreg $0xFFFFFFFF;
	(pc) =	sbr.abs _section_cstart, $3  }
0xd5: {  	[dreg:$0x1] =	wrdreg $0xFFFFFFFF  }
0xd6: {  	_ =	task.clear_ibuf [dreg:s22], $0x2FFFF;
	_ =	strace $0x9FFFFFFF  }
0xd7: {  	(tm) =	ssettm $0x7FFFFFFF  }
tec
execute0_lowered:
.L_overlay_start_1:
0x0: {  	(tag) =	ssettag $0x1  }
0x1: {  	s0 =	srdreg.scid;
	s4 =	rddreg [dreg:$0x0]  }
0x2: {  	s5 =	rddreg [dreg:$0x1];
	s3 =	sand.u32 $0x1, s0  }
0x3: {  	s2 =	simm.s32 $0x0;
	s0 =	stileid.u32;
	s1 =	sshll.u32 s3, $0x4  }
0x4: {  	s10 =	simm.s32 $0x2100;
	[smem:$0x7FF] =	sst s2;
	s6 =	sor.u32 s0, s1  }
0x5: {  	s8 =	sshll.u32 s0, $0x7;
	s9 =	ssub.s32 $0x2, s3;
	s7 =	sshrl.u32 s6, $0x3  }
0x6: {  	s3 =	sadd.s32 $0x2800, s4;
	s1 =	rddreg [dreg:$0x2];
	s7 =	smul.u32 $0x5000, s7  }
0x7: {  	_ =	strace $0x8000004A;
	s8 =	sand.u32 $0x380, s8;
	s29 =	sshrl.u32 s9, $0x1  }
0x8: {  	s30 =	ssub.s32 s9, s29;
	s4 =	sshll.u32 s6, $0x4;
	s7 =	sor.u32 s8, s7  }
0x9: {  	s9 =	simm.s32 $0x1;
	s6 =	smax.u32 s30, $0x1;
	s31 =	sshrl.u32 s7, $0x3  }
0xa: {  	s8 =	simm.s32 $0x400;
	s7 =	simm.s32 $0x80;
	s5 =	sadd.s32 s5, s31  }
.LBB2_1:
0xb: {  	s11 =	simm.s32 $0x0  }
.LBB2_2:
0xc: {  	s12 =	sadd.s32 s4, s11  }
0xd: {  	s12 =	sshrl.u32 s12, $0x3  }
0xe: {  	s13 =	sshll.u32 s11, $0x7;
	s12 =	smul.u32 $0x10800, s12  }
0xf: {  	s13 =	sand.u32 $0x380, s13  }
0x10: {  	s12 =	sor.u32 s13, s12  }
0x11: {  	s12 =	sshrl.u32 s12, $0x3  }
0x12: {  	s30 =	simm.s32 $0x0;
	s12 =	sadd.s32 s3, s12  }
0x13: {  	[tilespmem:s30], [sflag:$0x1] =	stream.strided.gather [hbm4b:s12+s7], $0x2100, s8, s7, $0x38;
	[tilespmem:$0x2B00] =	vst v63  }
0x14: {  	_ =	swait.ge [sflag:s9], $0x2100  }
0x15: {  	[sflag:s9] =	ssyncset.done $0x0  }
0x16: {  	s31 =	simm.s32 $0x0;
	[sflag:s9] =	ssyncadd.s32 $0xFFFFDF00  }
0x17: {  	v0 =	vld [tilespmem:s31+$0x0]  }
0x18: {  	v1 =	vld [tilespmem:s31+$0x10];
	_ =	sdelay $0x1  }
0x19: {  	v2 =	vld [tilespmem:s31+$0x20]  }
0x1a: {  	v3 =	vimm.f32 $-1.000000000e+00  }
0x1b: {  	v4 =	vmax.f32 v3, v0;
	v0 =	vmin.f32 v3, v0  }
0x1c: {  	v5 =	vld [tilespmem:s31+$0x30];
	v6 =	vmax.f32 v3, v0;
	v0 =	vmin.f32 v3, v0;
	v7 =	vmax.f32 v4, v1  }
0x1d: {  	v1 =	vmin.f32 v4, v1;
	v8 =	vmax.f32 v3, v0;
	v0 =	vmin.f32 v3, v0  }
0x1e: {  	v4 =	vmax.f32 v6, v1;
	v1 =	vmin.f32 v6, v1;
	v6 =	vmax.f32 v7, v2  }
0x1f: {  	v9 =	vmax.f32 v3, v0;
	v10 =	vmin.f32 v3, v0;
	v0 =	vmin.f32 v7, v2  }
0x20: {  	v7 =	vmax.f32 v3, v10;
	v11 =	vmax.f32 v4, v0;
	v0 =	vmin.f32 v4, v0  }
0x21: {  	v4 =	vmax.f32 v8, v1;
	v1 =	vmin.f32 v8, v1;
	v8 =	vmin.f32 v6, v5  }
0x22: {  	v12 =	vmin.f32 v4, v0;
	v13 =	vmax.f32 v11, v8;
	v8 =	vmin.f32 v11, v8  }
0x23: {  	v2 =	vld [tilespmem:s31+$0x40];
	v11 =	vmin.f32 v9, v1;
	v4 =	vmax.f32 v4, v0;
	v1 =	vmax.f32 v9, v1  }
0x24: {  	v5 =	vmax.f32 v6, v5;
	v6 =	vmin.f32 v4, v8;
	v9 =	vmax.f32 v1, v12  }
0x25: {  	v12 =	vmin.f32 v1, v12;
	v4 =	vmax.f32 v4, v8;
	v8 =	vmin.f32 v3, v10  }
0x26: {  	v10 =	vmax.f32 v7, v11;
	v11 =	vmin.f32 v7, v11;
	v1 =	vmax.f32 v9, v6  }
0x27: {  	v14 =	vmin.f32 v3, v8;
	v8 =	vmax.f32 v3, v8;
	v17 =	vmax.f32 v10, v12  }
0x28: {  	v9 =	vmin.f32 v9, v6;
	v0 =	vmax.f32 v5, v2;
	v15 =	vmin.f32 v5, v2  }
0x29: {  	v16 =	vmax.f32 v3, v14;
	v5 =	vmin.f32 v13, v15;
	v6 =	vmax.f32 v13, v15  }
0x2a: {  	v15 =	vmin.f32 v17, v9;
	v2 =	vmax.f32 v4, v5;
	v5 =	vmin.f32 v4, v5  }
0x2b: {  	v4 =	vmin.f32 v3, v14;
	v14 =	vmax.f32 v8, v11;
	v11 =	vmin.f32 v8, v11  }
0x2c: {  	v8 =	vmin.f32 v10, v12;
	v7 =	vmin.f32 v1, v5;
	v18 =	vmax.f32 v3, v4  }
0x2d: {  	v4 =	vmin.f32 v3, v4;
	v13 =	vmin.f32 v14, v8;
	v14 =	vmax.f32 v14, v8  }
0x2e: {  	v8 =	vmax.f32 v17, v9;
	v17 =	vmax.f32 v16, v11;
	v9 =	vmin.f32 v16, v11  }
0x2f: {  	v12 =	vmax.f32 v3, v4;
	v4 =	vmin.f32 v3, v4;
	v16 =	vmax.f32 v14, v15  }
0x30: {  	v10 =	vmax.f32 v18, v9;
	v19 =	vmax.f32 v17, v13;
	v20 =	vmin.f32 v8, v7  }
0x31: {  	v18 =	vmin.f32 v18, v9;
	v14 =	vmin.f32 v14, v15;
	v15 =	vmin.f32 v17, v13  }
0x32: {  	v4 =	vmax.f32 v3, v4;
	v9 =	vmin.f32 v16, v20;
	v11 =	vmax.f32 v12, v18  }
0x33: {  	v3 =	vmax.f32 v16, v20;
	v16 =	vmin.f32 v12, v18;
	v12 =	vmax.f32 v19, v14  }
0x34: {  	s12 =	simm.s32 $0x140;
	v14 =	vmin.f32 v19, v14;
	v13 =	vmax.f32 v4, v16;
	v4 =	vmax.f32 v12, v9  }
.LBB2_3:
0x35: {  	s13 =	sshra.s32 s12, $0x2;
	p0 =	sne.s32 s12, $0x8200;
	s12 =	sadd.s32 $0x140, s12;
	v16 =	vmax.f32 v10, v15;
	v10 =	vmin.f32 v10, v15;
	v7 =	vmax.f32 v8, v7  }
0x36: {  	v8 =	vld [tilespmem:s13+$0x0];
	v15 =	vmax.f32 v11, v10;
	v10 =	vmin.f32 v11, v10;
	v11 =	vmax.f32 v16, v14  }
0x37: {  	v9 =	vmin.f32 v12, v9;
	v17 =	vld [tilespmem:s13+$0x10];
	v10 =	vmax.f32 v13, v10;
	v13 =	vmin.f32 v16, v14  }
0x38: {  	v14 =	vmin.f32 v11, v9;
	v12 =	vmax.f32 v15, v13;
	v13 =	vmin.f32 v15, v13  }
0x39: {  	v9 =	vmax.f32 v11, v9;
	v15 =	vld [tilespmem:s13+$0x20];
	v10 =	vmax.f32 v10, v13;
	v11 =	vmin.f32 v12, v14  }
0x3a: {  	v1 =	vmax.f32 v1, v5;
	v12 =	vmax.f32 v12, v14;
	v11 =	vmax.f32 v10, v11  }
0x3b: {  	v5 =	vmax.f32 v0, v8;
	v0 =	vmin.f32 v0, v8;
	v8 =	vld [tilespmem:s13+$0x30]  }
0x3c: {  	v10 =	vmax.f32 v6, v0;
	v0 =	vmin.f32 v6, v0;
	v6 =	vmax.f32 v5, v17  }
0x3d: {  	v13 =	vmax.f32 v2, v0;
	v0 =	vmin.f32 v2, v0;
	v2 =	vmin.f32 v5, v17  }
0x3e: {  	v5 =	vmax.f32 v10, v2;
	v2 =	vmin.f32 v10, v2;
	v10 =	vmax.f32 v6, v15  }
0x3f: {  	v14 =	vmax.f32 v1, v0;
	v1 =	vmin.f32 v1, v0;
	v0 =	vmin.f32 v6, v15;
	v6 =	vld [tilespmem:s13+$0x40]  }
0x40: {  	v15 =	vmax.f32 v7, v1;
	v16 =	vmax.f32 v5, v0;
	v0 =	vmin.f32 v5, v0  }
0x41: {  	v5 =	vmax.f32 v13, v2;
	v2 =	vmin.f32 v13, v2;
	v13 =	vmin.f32 v10, v8  }
0x42: {  	v17 =	vmin.f32 v5, v0;
	v18 =	vmax.f32 v16, v13;
	v13 =	vmin.f32 v16, v13  }
0x43: {  	v5 =	vmax.f32 v5, v0;
	v8 =	vmax.f32 v10, v8;
	v16 =	vmin.f32 v14, v2  }
0x44: {  	v2 =	vmax.f32 v14, v2;
	v10 =	vmin.f32 v5, v13;
	v0 =	vmax.f32 v8, v6  }
0x45: {  	v14 =	vmax.f32 v2, v17;
	v17 =	vmin.f32 v2, v17;
	v5 =	vmax.f32 v5, v13  }
0x46: {  	v2 =	vmin.f32 v7, v1;
	v13 =	vmax.f32 v15, v16;
	v1 =	vmax.f32 v14, v10  }
0x47: {  	v15 =	vmin.f32 v15, v16;
	v7 =	vmin.f32 v3, v2;
	v6 =	vmin.f32 v8, v6  }
0x48: {  	v3 =	vmax.f32 v3, v2;
	v16 =	vmax.f32 v4, v7;
	v8 =	vmin.f32 v18, v6  }
0x49: {  	v19 =	vmax.f32 v13, v17;
	v2 =	vmax.f32 v5, v8;
	v5 =	vmin.f32 v5, v8  }
0x4a: {  	v4 =	vmin.f32 v4, v7;
	v8 =	vmax.f32 v3, v15;
	v7 =	vmin.f32 v1, v5  }
0x4b: {  	v20 =	vmax.f32 v9, v4;
	v4 =	vmin.f32 v9, v4;
	v9 =	vmin.f32 v14, v10  }
0x4c: {  	v10 =	vmin.f32 v13, v17;
	v6 =	vmax.f32 v18, v6;
	v3 =	vmin.f32 v3, v15  }
0x4d: {  	v13 =	vmax.f32 v12, v4;
	v15 =	vmin.f32 v19, v9;
	v14 =	vmin.f32 v8, v10  }
0x4e: {  	v4 =	vmin.f32 v12, v4;
	v12 =	vmax.f32 v8, v10;
	v8 =	vmax.f32 v19, v9  }
0x4f: {  	v17 =	vmax.f32 v16, v3;
	v3 =	vmin.f32 v16, v3;
	v16 =	vmax.f32 v12, v15  }
.Ltmp0:
0x50: {  	v10 =	vmax.f32 v20, v3;
	v18 =	vmax.f32 v17, v14;
	v19 =	vmin.f32 v8, v7;
	(pc) =	sbr.rel @p0 .LBB2_3-.Ltmp0, $4  }
0x51: {  	v4 =	vmax.f32 v11, v4;
	v20 =	vmin.f32 v20, v3;
	v9 =	vmin.f32 v16, v19  }
0x52: {  	v21 =	vmin.f32 v12, v15;
	v11 =	vmax.f32 v13, v20;
	v3 =	vmax.f32 v16, v19  }
0x53: {  	v15 =	vmin.f32 v17, v14;
	v13 =	vmin.f32 v13, v20;
	v12 =	vmax.f32 v18, v21  }
0x54: {  	v14 =	vmin.f32 v18, v21;
	v13 =	vmax.f32 v4, v13;
	v4 =	vmax.f32 v12, v9  }
0x55: {  	s12 =	smul.u32 $0xA0, s11;
	_ =	sdelay $0x1  }
0x56: {  	[tilespmem:s12+$0x2100] =	vst v0  }
0x57: {  	[tilespmem:s12+$0x2110] =	vst v6  }
0x58: {  	v55 =	vmin.f32 v10, v15;
	v1 =	vmax.f32 v1, v5;
	[tilespmem:s12+$0x2120] =	vst v2  }
0x59: {  	v56 =	vmax.f32 v10, v15;
	v57 =	vmax.f32 v8, v7;
	v60 =	vmin.f32 v12, v9;
	s11 =	sadd.s32 $0x1, s11;
	[tilespmem:s12+$0x2130] =	vst v1  }
0x5a: {  	v58 =	vmax.f32 v11, v55;
	v59 =	vmax.f32 v56, v14;
	p0 =	sne.s32 s11, $0x10;
	v0 =	vmin.f32 v11, v55;
	[tilespmem:s12+$0x2140] =	vst v57  }
.Ltmp1:
0x5b: {  	v2 =	vmin.f32 v56, v14;
	[tilespmem:s12+$0x2150] =	vst v3;
	v62 =	vmin.f32 v59, v60;
	v1 =	vmax.f32 v59, v60;
	(pc) =	sbr.rel @p0 .LBB2_2-.Ltmp1, $4  }
0x5c: {  	[tilespmem:s12+$0x2160] =	vst v4;
	v0 =	vmax.f32 v13, v0;
	v61 =	vmax.f32 v58, v2;
	v2 =	vmin.f32 v58, v2  }
0x5d: {  	s13 =	sand.u32 $0xFE0, s12;
	[tilespmem:s12+$0x2170] =	vst v1;
	v0 =	vmax.f32 v0, v2;
	v63 =	vmin.f32 v61, v62;
	v3 =	vmax.f32 v61, v62  }
0x5e: {  	v0 =	vmax.f32 v0, v63;
	[tilespmem:s13+$0x2180] =	vst v3  }
0x5f: {  	[tilespmem:s12+$0x2190] =	vst v0  }
0x60: {  	s2 =	sadd.s32 $0x1, s2  }
0x61: {  	p0 =	sne.s32 s2, s6  }
.Ltmp2:
0x62: {  	_ = 	snop;
	(pc) =	sbr.rel @p0 .LBB2_1-.Ltmp2, $4  }
0x63: {  	[hbm4b:s5+s7] =	stream.strided.scatter [tilespmem:s10], [sflag:$0x1], $0xA00, s8, s7, $0x38;
	[tilespmem:$0x2B00] =	vst v63  }
0x64: {  	_ =	swait.ge [sflag:s9], $0xA00  }
0x65: {  	[sflag:s9] =	ssyncset.done $0x0  }
0x66: {  	[sflag:s9] =	ssyncadd.s32 $0xFFFFF600  }
0x67: {  	_ =	sfence.sel $0x180000  }
0x68: {  	[bflag:$0x0] =	sbarrier.arrive $0xFFFF  }
0x69: {  	p0 =	sne.s32 s0, $0x0;
	_ =	strace $0x9000004A  }
0x6a: {  	s0 =	sadd.s32 @!p0 $0x100000, s1;
	[bflag:$0x2] =	sbarrier.arrive $0xFFFF  }
0x6b: {  	[sflag:s0] =	ssyncadd.tile.s32 @!p0 $0x1;
	_ =	shalt  }
.Lfunc_end2:
_tile_overlayer_lowered:
.L_overlay_start_2:
0x6c: {  	(tag) =	ssettag $0x2  }
0x6d: {  	s0 =	rddreg [dreg:$0x0];
	s2 =	stileid.u32  }
0x6e: {  	s1 =	rddreg [dreg:$0x1];
	p0 =	sne.s32 s2, $0x0  }
0x6f: {  	s3 =	rddreg [dreg:$0x2];
	[bflag:$0x3] =	sbarrier.arrive $0xFFFF;
	s2 =	simm.s32 @!p0 $0x1C01  }
0x70: {  	[timem:s3], [sflag:s2] =	dma.local @!p0 [hbm:s0], s1  }
0x71: {  	s0 =	simm.s32 @!p0 $0x1  }
0x72: {  	_ =	swait.ge @!p0 [sflag:s0], s1  }
0x73: {  	s1 =	ssub.s32 @!p0 $0x0, s1;
	[sflag:s0] =	ssyncset.done @!p0 $0x0  }
0x74: {  	[sflag:s0] =	ssyncadd.s32 @!p0 s1  }
0x75: {  	[bflag:$0x3] =	sbarrier.arrive $0xFFFF  }
0x76: {  	_ =	shalt  }

// kernel: kernel.8.cloned.1.call-start
scs
__scs_entry_jumppad:
0x0: {  	(pc) =	sbr.rel $0x88, $3  }
0x1: {  	(tag) =	ssettag $0x0;
	lr =	simm.s32 $0x1  }
0x2: {  	[smem:$0x3F9A] =	sst lr;
	_ =	strace $0xD0000000  }
0x3: {  	_ = 	snop  }
0x4: {  	_ = 	snop  }
0x5: {  	_ = 	snop  }
0x6: {  	_ = 	snop  }
0x7: {  	_ = 	snop  }
__scs_overlays_trampoline_lowered:
0x8: {  	[smem:$0x3FA9] =	sst s0  }
0x9: {  	[smem:$0x3FAA] =	sst s1  }
0xa: {  	[smem:$0x3FAB] =	sst s2  }
0xb: {  	[smem:$0x3FAC] =	sst s3  }
0xc: {  	[smem:$0x3FAD] =	sst s4  }
0xd: {  	[smem:$0x3FAE] =	sst s5  }
0xe: {  	[smem:$0x3FAF] =	sst s6  }
0xf: {  	[smem:$0x3FB0] =	sst s7  }
0x10: {  	[smem:$0x3FB1] =	sst s8  }
0x11: {  	[smem:$0x3FB2] =	sst s9;
	s0 =	simm.s32 @!p0 $0x0  }
0x12: {  	s1 =	sld [smem:$0x3F98];
	s0 =	simm.s32 @p0 $0x1  }
0x13: {  	[smem:$0x3FB3] =	sst s0;
	s0 =	simm.s32 @!p1 $0x0  }
0x14: {  	s2 =	sld [smem:$0x3F97];
	s0 =	simm.s32 @p1 $0x1  }
0x15: {  	[smem:$0x3FB4] =	sst s0;
	s0 =	simm.s32 @!p2 $0x0  }
0x16: {  	s3 =	sld [smem:$0x3FDB];
	s0 =	simm.s32 @p2 $0x1  }
0x17: {  	s4 =	simm.s32 $0x1BF5;
	[smem:$0x3FB6] =	sst s0  }
0x18: {  	s0 =	sld [smem:$0x3F99];
	_ =	swait.ge [sflag:s4], $0x0  }
0x19: {  	s7 =	sld [smem:$0x3F9A]  }
0x1a: {  	s8 =	sadd.s32 $0xFFFFE003, lr  }
0x1b: {  	s9 =	sadd.s32 $0xFFFFFEF7, lr;
	s5 =	simm.s32 $0xFFFFFFFF;
	p2 =	slt.u32 s8, $0xFFFFF086  }
0x1c: {  	p1 =	slt.u32 s9, $0xF7A;
	s5 =	simm.s32 @!p2 $0x0  }
0x1d: {  	s5 =	simm.s32 @p1 $0x1;
	p0 =	seq.s32 s7, s2  }
0x1e: {  	s7 =	smul.u32 @!p0 $0xF7A, s2;
	p2 =	seq.s32 @!p0 s5, $0x0  }
0x1f: {  	s9 =	smul.u32 $0xF7A, s1;
	s8 =	simm.s32 @!p0 $0x1BF5;
	p2 =	por !p2, p0  }
0x20: {  	[sflag:s8] =	ssyncset.s32 @!p0 $0xFFFFF086;
	s6 =	sadd.s32 @!p0 s3, s7;
	s7 =	simm.s32 @!p0 $0x108  }
0x21: {  	s3 =	sadd.s32 s3, s9;
	s6 =	sadd.s32 @!p0 $0x88, s6;
	s7 =	simm.s32 @p2 $0x1082  }
0x22: {  	[simem:s7], [sflag:s8] =	dma.local @!p0 [hbm:s6], $0xF7A  }
0x23: {  	s9 =	sor.u32 $0xD0000000, s2;
	s6 =	simm.s32 $0x108;
	_ =	swait.ge @!p0 [sflag:s8], $0x0  }
0x24: {  	s3 =	sadd.s32 $0x88, s3;
	s6 =	simm.s32 @!p1 $0x1082;
	[sflag:s4] =	ssyncset.s32 $0xFFFFF086  }
0x25: {  	[simem:s6], [sflag:s4] =	dma.local [hbm:s3], $0xF7A  }
0x26: {  	[smem:$0x3F9A] =	sst s1;
	(tag) =	ssettag s2;
	_ =	strace s9  }
0x27: {  	s1 =	sld [smem:$0x3FAA]  }
0x28: {  	s2 =	sld [smem:$0x3FAB]  }
0x29: {  	s4 =	sld [smem:$0x3FAD]  }
0x2a: {  	p0 =	seq.s32 s5, $0x0;
	s5 =	sld [smem:$0x3FAE]  }
0x2b: {  	s6 =	sld [smem:$0x3FAF]  }
0x2c: {  	s7 =	sld [smem:$0x3FB0]  }
0x2d: {  	s3 =	simm.s32 $0x108;
	s8 =	sld [smem:$0x3FB1]  }
0x2e: {  	s3 =	simm.s32 @!p0 $0x1082;
	s9 =	sld [smem:$0x3FB2]  }
0x2f: {  	lr =	sadd.s32 s0, s3;
	s0 =	sld [smem:$0x3FA9]  }
0x30: {  	s3 =	sld [smem:$0x3FAC]  }
0x31: {  	[smem:$0x3FB5] =	sst s10  }
0x32: {  	s10 =	sld [smem:$0x3FB3];
	_ =	sdelay $0x3  }
0x33: {  	p0 =	seq.s32 s10, $0x1;
	s10 =	sld [smem:$0x3FB5];
	_ =	sdelay $0x3  }
0x34: {  	[smem:$0x3FB5] =	sst s10  }
0x35: {  	s10 =	sld [smem:$0x3FB4];
	_ =	sdelay $0x3  }
0x36: {  	p1 =	seq.s32 s10, $0x1;
	s10 =	sld [smem:$0x3FB5];
	_ =	sdelay $0x3  }
0x37: {  	[smem:$0x3FB5] =	sst s10  }
0x38: {  	s10 =	sld [smem:$0x3FB6]  }
0x39: {  	_ = 	snop;
	(pc) =	sbr.ind lr, $3  }
0x3a: {  	_ = 	snop  }
0x3b: {  	_ = 	snop  }
0x3c: {  	p2 =	seq.s32 s10, $0x1;
	s10 =	sld [smem:$0x3FB5]  }
0x3d: {  	_ =	shalt  }
0x3e: {  	_ =	shalt  }
0x3f: {  	_ =	shalt  }
0x40: {  	_ =	shalt  }
0x41: {  	_ =	shalt  }
0x42: {  	_ =	shalt  }
0x43: {  	_ =	shalt  }
0x44: {  	_ =	shalt  }
0x45: {  	_ =	shalt  }
0x46: {  	_ =	shalt  }
0x47: {  	_ =	shalt  }
0x48: {  	_ =	shalt  }
0x49: {  	_ =	shalt  }
0x4a: {  	_ =	shalt  }
0x4b: {  	_ =	shalt  }
0x4c: {  	_ =	shalt  }
0x4d: {  	_ =	shalt  }
0x4e: {  	_ =	shalt  }
0x4f: {  	_ =	shalt  }
0x50: {  	_ =	shalt  }
0x51: {  	_ =	shalt  }
0x52: {  	_ =	shalt  }
0x53: {  	_ =	shalt  }
0x54: {  	_ =	shalt  }
0x55: {  	_ =	shalt  }
0x56: {  	_ =	shalt  }
0x57: {  	_ =	shalt  }
0x58: {  	_ =	shalt  }
0x59: {  	_ =	shalt  }
0x5a: {  	_ =	shalt  }
0x5b: {  	_ =	shalt  }
0x5c: {  	_ =	shalt  }
0x5d: {  	_ =	shalt  }
0x5e: {  	_ =	shalt  }
0x5f: {  	_ =	shalt  }
0x60: {  	_ =	shalt  }
0x61: {  	_ =	shalt  }
0x62: {  	_ =	shalt  }
0x63: {  	_ =	shalt  }
0x64: {  	_ =	shalt  }
0x65: {  	_ =	shalt  }
0x66: {  	_ =	shalt  }
0x67: {  	_ =	shalt  }
0x68: {  	_ =	shalt  }
0x69: {  	_ =	shalt  }
0x6a: {  	_ =	shalt  }
0x6b: {  	_ =	shalt  }
0x6c: {  	_ =	shalt  }
0x6d: {  	_ =	shalt  }
0x6e: {  	_ =	shalt  }
0x6f: {  	_ =	shalt  }
0x70: {  	_ =	shalt  }
0x71: {  	_ =	shalt  }
0x72: {  	_ =	shalt  }
0x73: {  	_ =	shalt  }
0x74: {  	_ =	shalt  }
0x75: {  	_ =	shalt  }
0x76: {  	_ =	shalt  }
0x77: {  	_ =	shalt  }
0x78: {  	_ =	shalt  }
0x79: {  	_ =	shalt  }
0x7a: {  	_ =	shalt  }
0x7b: {  	_ =	shalt  }
0x7c: {  	_ =	shalt  }
0x7d: {  	_ =	shalt  }
0x7e: {  	_ =	shalt  }
0x7f: {  	_ =	shalt  }
0x80: {  	_ =	shalt  }
0x81: {  	_ =	shalt  }
0x82: {  	_ =	shalt  }
0x83: {  	_ =	shalt  }
0x84: {  	_ =	shalt  }
0x85: {  	_ =	shalt  }
0x86: {  	_ =	shalt  }
0x87: {  	_ =	shalt  }
.Lfunc_end0:
.L_simem_size_0:
called_computation_lowered:
.L_overlay_start_0:
0x88: {  	s2 =	sld [smem:$0x3FD9]  }
0x89: {  	s3 =	sld [smem:$0x3FFE];
	_ =	sdelay $0x1  }
0x8a: {  	s1 =	srdreg.scid  }
0x8b: {  	s0 =	sand.u32 $0x1, s1  }
0x8c: {  	s14 =	sshll.u32 s0, $0xA;
	s2 =	sadd.s32 s3, s2  }
0x8d: {  	s2 =	sadd.s32 s2, s14  }
0x8e: {  	[smem:$0x3FC1] =	sst s2  }
0x8f: {  	_ = 	snop  }
0x90: {  	s2 =	sld [smem:$0x3FD0];
	_ =	sdelay $0x2  }
0x91: {  	s15 =	simm.s32 $0xB;
	s4 =	simm.s32 $0x10  }
0x92: {  	[smem:s4], [sflag:s15] =	dma.local [hbm:s2], $0x1  }
0x93: {  	_ =	swait.eq [sflag:s15], $0x1  }
0x94: {  	[sflag:s15] =	ssyncset.done $0x0  }
0x95: {  	[sflag:s15] =	ssyncadd.s32 $0xFFFFFFFF  }
0x96: {  	s16 =	sld [smem:$0x12];
	(tm) =	ssettm $0x1  }
0x97: {  	s17 =	sld [smem:$0x3FFB];
	_ =	sdelay $0x3  }
0x98: {  	_ =	strace s17  }
0x99: {  	s3 =	sld [smem:$0x3FFC];
	_ =	sdelay $0x3  }
0x9a: {  	_ =	strace s3  }
0x9b: {  	s3 =	sld [smem:$0x3FFD];
	_ =	sdelay $0x3  }
0x9c: {  	_ =	strace s3  }
0x9d: {  	_ =	strace $0x8FFFFFFF  }
0x9e: {  	s18 =	sld [smem:$0x3FDB];
	_ =	sdelay $0x1  }
0x9f: {  	s19 =	simm.s32 $_scs_section_size  }
0xa0: {  	s5 =	simm.s32 $_size__tile_overlayer_lowered;
	s6 =	simm.s32 $_tile_overlayer_lowered  }
0xa1: {  	s22 =	simm.s32 $0x1BFF;
	s21 =	sshll.u32 s6, $0x1;
	s3 =	sadd.s32 s19, s18  }
0xa2: {  	s7 =	simm.s32 $0x0;
	s20 =	sshll.u32 s5, $0x1;
	s5 =	sadd.s32 s21, s3  }
0xa3: {  	[timem:s7], [sflag:s22] =	dma.local [hbm:s5], s20  }
0xa4: {  	_ =	swait.ge [sflag:s22], s20  }
0xa5: {  	s4 =	ssub.s32 $0x0, s20;
	[sflag:s22] =	ssyncset.done $0x0  }
0xa6: {  	[sflag:s22] =	ssyncadd.s32 s4;
	_ =	sdelay $0x1  }
0xa7: {  	s23 =	simm.s32 $0x1B8B  }
0xa8: {  	_ =	swait.ge [sflag:s23], $0x1  }
0xa9: {  	[sflag:s23] =	ssyncset.done $0x0  }
0xaa: {  	s25 =	simm.s32 $0x1B8E;
	s24 =	sld [smem:$0x3FFE];
	[sflag:s23] =	ssyncadd.s32 $0xFFFFFFFF  }
0xab: {  	s26 =	simm.s32 $execute0_lowered;
	[smem:$0x3FD2] =	sst s25  }
0xac: {  	s5 =	sshll.u32 s26, $0x1;
	_ =	strace $0x80000046;
	[dreg:$0x1] =	wrdreg $0xFFFFFFFF  }
0xad: {  	s28 =	simm.s32 $_size_execute0_lowered;
	s3 =	sadd.s32 s3, s5;
	[dreg:$0x0] =	wrdreg $0x0  }
0xae: {  	s5 =	sshll.u32 s28, $0x1;
	[dreg:$0x2] =	wrdreg s3  }
0xaf: {  	[dreg:$0x3] =	wrdreg s5  }
0xb0: {  	[dreg:$0x4] =	wrdreg $0xC0  }
0xb1: {  	_ =	task [dreg:s7], $0x5FFFF  }
0xb2: {  	[dreg:$0x1] =	wrdreg $0xFFFFFFFF  }
0xb3: {  	[dreg:$0x0] =	wrdreg $0x60  }
0xb4: {  	[dreg:$0x2] =	wrdreg s24  }
0xb5: {  	[dreg:$0x3] =	wrdreg s16  }
0xb6: {  	[dreg:$0x4] =	wrdreg $0x9  }
0xb7: {  	_ =	task.clear_ibuf [dreg:s7], $0x5FFFF;
	_ =	strace $0x90000046  }
0xb8: {  	s29 =	simm.s32 $0x9;
	_ =	strace $0x80000048  }
0xb9: {  	_ =	swait.ge [sflag:s29], $0x1  }
0xba: {  	[sflag:s29] =	ssyncadd.s32 $0xFFFFFFFF  }
0xbb: {  	_ =	strace $0x90000048  }
0xbc: {  	_ =	sfence  }
0xbd: {  	s30 =	sld [smem:$0x0];
	_ =	sdelay $0x2  }
0xbe: {  	s31 =	sshll.u32 s1, $0xD;
	s1 =	sshrl.u32 s1, $0x2  }
0xbf: {  	s3 =	sand.u32 $0x4000, s31;
	s1 =	sadd.s32 s1, s30  }
0xc0: {  	s0 =	sor.u32 s3, s0;
	s1 =	sshll.u32 s1, $0x11  }
0xc1: {  	s0 =	sor.u32 s1, s0  }
0xc2: {  	s0 =	sadd.s32 $0x8F2B, s0  }
0xc3: {  	[sflag:s0] =	ssyncadd.remote.s32 $0x1  }
0xc4: {  	_ =	sfence.sel $0xFFFF  }
0xc5: {  	[dreg:$0x0] =	wrdreg $0xFFFFFFFF;
	(pc) =	sbr.abs _section_cstart, $3  }
0xc6: {  	[dreg:$0x1] =	wrdreg $0xFFFFFFFF  }
0xc7: {  	_ =	task.clear_ibuf [dreg:s7], $0x2FFFF;
	_ =	strace $0x9FFFFFFF  }
0xc8: {  	(tm) =	ssettm $0x7FFFFFFF  }
0xc9: {  	_ =	shalt  }
tec
execute0_lowered:
.L_overlay_start_1:
0x0: {  	(tag) =	ssettag $0x1  }
0x1: {  	s0 =	srdreg.scid;
	s4 =	rddreg [dreg:$0x0]  }
0x2: {  	s5 =	rddreg [dreg:$0x1];
	s3 =	sand.u32 $0x1, s0  }
0x3: {  	s2 =	simm.s32 $0x0;
	s0 =	stileid.u32;
	s1 =	sshll.u32 s3, $0x4  }
0x4: {  	s10 =	simm.s32 $0x2100;
	[smem:$0x7FF] =	sst s2;
	s6 =	sor.u32 s0, s1  }
0x5: {  	s8 =	sshll.u32 s0, $0x7;
	s9 =	ssub.s32 $0x2, s3;
	s7 =	sshrl.u32 s6, $0x3  }
0x6: {  	s3 =	sadd.s32 $0x12B800, s4;
	s1 =	rddreg [dreg:$0x2];
	s7 =	smul.u32 $0x5000, s7  }
0x7: {  	_ =	strace $0x80000047;
	s8 =	sand.u32 $0x380, s8;
	s29 =	sshrl.u32 s9, $0x1  }
0x8: {  	s30 =	ssub.s32 s9, s29;
	s4 =	sshll.u32 s6, $0x4;
	s7 =	sor.u32 s8, s7  }
0x9: {  	s9 =	simm.s32 $0x1;
	s6 =	smax.u32 s30, $0x1;
	s31 =	sshrl.u32 s7, $0x3  }
0xa: {  	s8 =	simm.s32 $0x400;
	s7 =	simm.s32 $0x80;
	s5 =	sadd.s32 s5, s31  }
.LBB2_1:
0xb: {  	s11 =	simm.s32 $0x0  }
.LBB2_2:
0xc: {  	s12 =	sadd.s32 s4, s11  }
0xd: {  	s12 =	sshrl.u32 s12, $0x3  }
0xe: {  	s13 =	sshll.u32 s11, $0x7;
	s12 =	smul.u32 $0x10800, s12  }
0xf: {  	s13 =	sand.u32 $0x380, s13  }
0x10: {  	s12 =	sor.u32 s13, s12  }
0x11: {  	s12 =	sshrl.u32 s12, $0x3  }
0x12: {  	s30 =	simm.s32 $0x0;
	s12 =	sadd.s32 s3, s12  }
0x13: {  	[tilespmem:s30], [sflag:$0x1] =	stream.strided.gather [hbm4b:s12+s7], $0x2100, s8, s7, $0x38;
	[tilespmem:$0x2B00] =	vst v63  }
0x14: {  	_ =	swait.ge [sflag:s9], $0x2100  }
0x15: {  	[sflag:s9] =	ssyncset.done $0x0  }
0x16: {  	s31 =	simm.s32 $0x0;
	[sflag:s9] =	ssyncadd.s32 $0xFFFFDF00  }
0x17: {  	v0 =	vld [tilespmem:s31+$0x0]  }
0x18: {  	v1 =	vld [tilespmem:s31+$0x10];
	_ =	sdelay $0x1  }
0x19: {  	v2 =	vld [tilespmem:s31+$0x20]  }
0x1a: {  	v3 =	vimm.f32 $-1.000000000e+00  }
0x1b: {  	v4 =	vmax.f32 v3, v0;
	v0 =	vmin.f32 v3, v0  }
0x1c: {  	v5 =	vld [tilespmem:s31+$0x30];
	v6 =	vmax.f32 v3, v0;
	v0 =	vmin.f32 v3, v0;
	v7 =	vmax.f32 v4, v1  }
0x1d: {  	v1 =	vmin.f32 v4, v1;
	v8 =	vmax.f32 v3, v0;
	v0 =	vmin.f32 v3, v0  }
0x1e: {  	v4 =	vmax.f32 v6, v1;
	v1 =	vmin.f32 v6, v1;
	v6 =	vmax.f32 v7, v2  }
0x1f: {  	v9 =	vmax.f32 v3, v0;
	v10 =	vmin.f32 v3, v0;
	v0 =	vmin.f32 v7, v2  }
0x20: {  	v7 =	vmax.f32 v3, v10;
	v11 =	vmax.f32 v4, v0;
	v0 =	vmin.f32 v4, v0  }
0x21: {  	v4 =	vmax.f32 v8, v1;
	v1 =	vmin.f32 v8, v1;
	v8 =	vmin.f32 v6, v5  }
0x22: {  	v12 =	vmin.f32 v4, v0;
	v13 =	vmax.f32 v11, v8;
	v8 =	vmin.f32 v11, v8  }
0x23: {  	v2 =	vld [tilespmem:s31+$0x40];
	v11 =	vmin.f32 v9, v1;
	v4 =	vmax.f32 v4, v0;
	v1 =	vmax.f32 v9, v1  }
0x24: {  	v5 =	vmax.f32 v6, v5;
	v6 =	vmin.f32 v4, v8;
	v9 =	vmax.f32 v1, v12  }
0x25: {  	v12 =	vmin.f32 v1, v12;
	v4 =	vmax.f32 v4, v8;
	v8 =	vmin.f32 v3, v10  }
0x26: {  	v10 =	vmax.f32 v7, v11;
	v11 =	vmin.f32 v7, v11;
	v1 =	vmax.f32 v9, v6  }
0x27: {  	v14 =	vmin.f32 v3, v8;
	v8 =	vmax.f32 v3, v8;
	v17 =	vmax.f32 v10, v12  }
0x28: {  	v9 =	vmin.f32 v9, v6;
	v0 =	vmax.f32 v5, v2;
	v15 =	vmin.f32 v5, v2  }
0x29: {  	v16 =	vmax.f32 v3, v14;
	v5 =	vmin.f32 v13, v15;
	v6 =	vmax.f32 v13, v15  }
0x2a: {  	v15 =	vmin.f32 v17, v9;
	v2 =	vmax.f32 v4, v5;
	v5 =	vmin.f32 v4, v5  }
0x2b: {  	v4 =	vmin.f32 v3, v14;
	v14 =	vmax.f32 v8, v11;
	v11 =	vmin.f32 v8, v11  }
0x2c: {  	v8 =	vmin.f32 v10, v12;
	v7 =	vmin.f32 v1, v5;
	v18 =	vmax.f32 v3, v4  }
0x2d: {  	v4 =	vmin.f32 v3, v4;
	v13 =	vmin.f32 v14, v8;
	v14 =	vmax.f32 v14, v8  }
0x2e: {  	v8 =	vmax.f32 v17, v9;
	v17 =	vmax.f32 v16, v11;
	v9 =	vmin.f32 v16, v11  }
0x2f: {  	v12 =	vmax.f32 v3, v4;
	v4 =	vmin.f32 v3, v4;
	v16 =	vmax.f32 v14, v15  }
0x30: {  	v10 =	vmax.f32 v18, v9;
	v19 =	vmax.f32 v17, v13;
	v20 =	vmin.f32 v8, v7  }
0x31: {  	v18 =	vmin.f32 v18, v9;
	v14 =	vmin.f32 v14, v15;
	v15 =	vmin.f32 v17, v13  }
0x32: {  	v4 =	vmax.f32 v3, v4;
	v9 =	vmin.f32 v16, v20;
	v11 =	vmax.f32 v12, v18  }
0x33: {  	v3 =	vmax.f32 v16, v20;
	v16 =	vmin.f32 v12, v18;
	v12 =	vmax.f32 v19, v14  }
0x34: {  	s12 =	simm.s32 $0x140;
	v14 =	vmin.f32 v19, v14;
	v13 =	vmax.f32 v4, v16;
	v4 =	vmax.f32 v12, v9  }
.LBB2_3:
0x35: {  	s13 =	sshra.s32 s12, $0x2;
	p0 =	sne.s32 s12, $0x8200;
	s12 =	sadd.s32 $0x140, s12;
	v16 =	vmax.f32 v10, v15;
	v10 =	vmin.f32 v10, v15;
	v7 =	vmax.f32 v8, v7  }
0x36: {  	v8 =	vld [tilespmem:s13+$0x0];
	v15 =	vmax.f32 v11, v10;
	v10 =	vmin.f32 v11, v10;
	v11 =	vmax.f32 v16, v14  }
0x37: {  	v9 =	vmin.f32 v12, v9;
	v17 =	vld [tilespmem:s13+$0x10];
	v10 =	vmax.f32 v13, v10;
	v13 =	vmin.f32 v16, v14  }
0x38: {  	v14 =	vmin.f32 v11, v9;
	v12 =	vmax.f32 v15, v13;
	v13 =	vmin.f32 v15, v13  }
0x39: {  	v9 =	vmax.f32 v11, v9;
	v15 =	vld [tilespmem:s13+$0x20];
	v10 =	vmax.f32 v10, v13;
	v11 =	vmin.f32 v12, v14  }
0x3a: {  	v1 =	vmax.f32 v1, v5;
	v12 =	vmax.f32 v12, v14;
	v11 =	vmax.f32 v10, v11  }
0x3b: {  	v5 =	vmax.f32 v0, v8;
	v0 =	vmin.f32 v0, v8;
	v8 =	vld [tilespmem:s13+$0x30]  }
0x3c: {  	v10 =	vmax.f32 v6, v0;
	v0 =	vmin.f32 v6, v0;
	v6 =	vmax.f32 v5, v17  }
0x3d: {  	v13 =	vmax.f32 v2, v0;
	v0 =	vmin.f32 v2, v0;
	v2 =	vmin.f32 v5, v17  }
0x3e: {  	v5 =	vmax.f32 v10, v2;
	v2 =	vmin.f32 v10, v2;
	v10 =	vmax.f32 v6, v15  }
0x3f: {  	v14 =	vmax.f32 v1, v0;
	v1 =	vmin.f32 v1, v0;
	v0 =	vmin.f32 v6, v15;
	v6 =	vld [tilespmem:s13+$0x40]  }
0x40: {  	v15 =	vmax.f32 v7, v1;
	v16 =	vmax.f32 v5, v0;
	v0 =	vmin.f32 v5, v0  }
0x41: {  	v5 =	vmax.f32 v13, v2;
	v2 =	vmin.f32 v13, v2;
	v13 =	vmin.f32 v10, v8  }
0x42: {  	v17 =	vmin.f32 v5, v0;
	v18 =	vmax.f32 v16, v13;
	v13 =	vmin.f32 v16, v13  }
0x43: {  	v5 =	vmax.f32 v5, v0;
	v8 =	vmax.f32 v10, v8;
	v16 =	vmin.f32 v14, v2  }
0x44: {  	v2 =	vmax.f32 v14, v2;
	v10 =	vmin.f32 v5, v13;
	v0 =	vmax.f32 v8, v6  }
0x45: {  	v14 =	vmax.f32 v2, v17;
	v17 =	vmin.f32 v2, v17;
	v5 =	vmax.f32 v5, v13  }
0x46: {  	v2 =	vmin.f32 v7, v1;
	v13 =	vmax.f32 v15, v16;
	v1 =	vmax.f32 v14, v10  }
0x47: {  	v15 =	vmin.f32 v15, v16;
	v7 =	vmin.f32 v3, v2;
	v6 =	vmin.f32 v8, v6  }
0x48: {  	v3 =	vmax.f32 v3, v2;
	v16 =	vmax.f32 v4, v7;
	v8 =	vmin.f32 v18, v6  }
0x49: {  	v19 =	vmax.f32 v13, v17;
	v2 =	vmax.f32 v5, v8;
	v5 =	vmin.f32 v5, v8  }
0x4a: {  	v4 =	vmin.f32 v4, v7;
	v8 =	vmax.f32 v3, v15;
	v7 =	vmin.f32 v1, v5  }
0x4b: {  	v20 =	vmax.f32 v9, v4;
	v4 =	vmin.f32 v9, v4;
	v9 =	vmin.f32 v14, v10  }
0x4c: {  	v10 =	vmin.f32 v13, v17;
	v6 =	vmax.f32 v18, v6;
	v3 =	vmin.f32 v3, v15  }
0x4d: {  	v13 =	vmax.f32 v12, v4;
	v15 =	vmin.f32 v19, v9;
	v14 =	vmin.f32 v8, v10  }
0x4e: {  	v4 =	vmin.f32 v12, v4;
	v12 =	vmax.f32 v8, v10;
	v8 =	vmax.f32 v19, v9  }
0x4f: {  	v17 =	vmax.f32 v16, v3;
	v3 =	vmin.f32 v16, v3;
	v16 =	vmax.f32 v12, v15  }
.Ltmp0:
0x50: {  	v10 =	vmax.f32 v20, v3;
	v18 =	vmax.f32 v17, v14;
	v19 =	vmin.f32 v8, v7;
	(pc) =	sbr.rel @p0 .LBB2_3-.Ltmp0, $4  }
0x51: {  	v4 =	vmax.f32 v11, v4;
	v20 =	vmin.f32 v20, v3;
	v9 =	vmin.f32 v16, v19  }
0x52: {  	v21 =	vmin.f32 v12, v15;
	v11 =	vmax.f32 v13, v20;
	v3 =	vmax.f32 v16, v19  }
0x53: {  	v15 =	vmin.f32 v17, v14;
	v13 =	vmin.f32 v13, v20;
	v12 =	vmax.f32 v18, v21  }
0x54: {  	v14 =	vmin.f32 v18, v21;
	v13 =	vmax.f32 v4, v13;
	v4 =	vmax.f32 v12, v9  }
0x55: {  	s12 =	smul.u32 $0xA0, s11;
	_ =	sdelay $0x1  }
0x56: {  	[tilespmem:s12+$0x2100] =	vst v0  }
0x57: {  	[tilespmem:s12+$0x2110] =	vst v6  }
0x58: {  	v55 =	vmin.f32 v10, v15;
	v1 =	vmax.f32 v1, v5;
	[tilespmem:s12+$0x2120] =	vst v2  }
0x59: {  	v56 =	vmax.f32 v10, v15;
	v57 =	vmax.f32 v8, v7;
	v60 =	vmin.f32 v12, v9;
	s11 =	sadd.s32 $0x1, s11;
	[tilespmem:s12+$0x2130] =	vst v1  }
0x5a: {  	v58 =	vmax.f32 v11, v55;
	v59 =	vmax.f32 v56, v14;
	p0 =	sne.s32 s11, $0x10;
	v0 =	vmin.f32 v11, v55;
	[tilespmem:s12+$0x2140] =	vst v57  }
.Ltmp1:
0x5b: {  	v2 =	vmin.f32 v56, v14;
	[tilespmem:s12+$0x2150] =	vst v3;
	v62 =	vmin.f32 v59, v60;
	v1 =	vmax.f32 v59, v60;
	(pc) =	sbr.rel @p0 .LBB2_2-.Ltmp1, $4  }
0x5c: {  	[tilespmem:s12+$0x2160] =	vst v4;
	v0 =	vmax.f32 v13, v0;
	v61 =	vmax.f32 v58, v2;
	v2 =	vmin.f32 v58, v2  }
0x5d: {  	s13 =	sand.u32 $0xFE0, s12;
	[tilespmem:s12+$0x2170] =	vst v1;
	v0 =	vmax.f32 v0, v2;
	v63 =	vmin.f32 v61, v62;
	v3 =	vmax.f32 v61, v62  }
0x5e: {  	v0 =	vmax.f32 v0, v63;
	[tilespmem:s13+$0x2180] =	vst v3  }
0x5f: {  	[tilespmem:s12+$0x2190] =	vst v0  }
0x60: {  	s2 =	sadd.s32 $0x1, s2  }
0x61: {  	p0 =	sne.s32 s2, s6  }
.Ltmp2:
0x62: {  	_ = 	snop;
	(pc) =	sbr.rel @p0 .LBB2_1-.Ltmp2, $4  }
0x63: {  	[hbm4b:s5+s7] =	stream.strided.scatter [tilespmem:s10], [sflag:$0x1], $0xA00, s8, s7, $0x38;
	[tilespmem:$0x2B00] =	vst v63  }
0x64: {  	_ =	swait.ge [sflag:s9], $0xA00  }
0x65: {  	[sflag:s9] =	ssyncset.done $0x0  }
0x66: {  	[sflag:s9] =	ssyncadd.s32 $0xFFFFF600  }
0x67: {  	_ =	sfence.sel $0x180000  }
0x68: {  	[bflag:$0x0] =	sbarrier.arrive $0xFFFF  }
0x69: {  	p0 =	sne.s32 s0, $0x0;
	_ =	strace $0x90000047  }
0x6a: {  	s0 =	sadd.s32 @!p0 $0x100000, s1;
	[bflag:$0x2] =	sbarrier.arrive $0xFFFF  }
0x6b: {  	[sflag:s0] =	ssyncadd.tile.s32 @!p0 $0x1;
	_ =	shalt  }
.Lfunc_end2:
_tile_overlayer_lowered:
.L_overlay_start_2:
0x6c: {  	(tag) =	ssettag $0x2  }
0x6d: {  	s0 =	rddreg [dreg:$0x0];
	s2 =	stileid.u32  }
0x6e: {  	s1 =	rddreg [dreg:$0x1];
	p0 =	sne.s32 s2, $0x0  }
0x6f: {  	s3 =	rddreg [dreg:$0x2];
	[bflag:$0x3] =	sbarrier.arrive $0xFFFF;
	s2 =	simm.s32 @!p0 $0x1C01  }
0x70: {  	[timem:s3], [sflag:s2] =	dma.local @!p0 [hbm:s0], s1  }
0x71: {  	s0 =	simm.s32 @!p0 $0x1  }
0x72: {  	_ =	swait.ge @!p0 [sflag:s0], s1  }
0x73: {  	s1 =	ssub.s32 @!p0 $0x0, s1;
	[sflag:s0] =	ssyncset.done @!p0 $0x0  }
0x74: {  	[sflag:s0] =	ssyncadd.s32 @!p0 s1  }
0x75: {  	[bflag:$0x3] =	sbarrier.arrive $0xFFFF  }
0x76: {  	_ =	shalt  }

</sc_bundles>
